<compile_context>
chip_gen: v7x
topology: tpu7x:2x2x1
jax: 0.10.2.dev20260603
libtpu: 0.0.44.dev20260713+nightly
codegen_flags: <defaults>
</compile_context>

<pallas_src>
import jax
import jax.numpy as jnp
from jax import lax
from jax.experimental import pallas as pl
from jax.experimental.pallas import tpu as pltpu
from jax.experimental.pallas import tpu_sc as plsc

_CHUNK = 128
_NBUF = 4


def _build_sc_gather(nb, n, c, m):
    info = plsc.get_sparse_core_info()
    num_workers = info.num_cores * info.num_subcores
    assert num_workers % nb == 0
    parts = num_workers // nb
    assert m % parts == 0
    mper = m // parts
    assert mper % _CHUNK == 0
    nch = mper // _CHUNK
    assert nch % _NBUF == 0 and nch >= 2 * _NBUF

    def body(ft_hbm, idx_hbm, out_hbm, idx_v, g_v, s0, s1, s2, s3,
             t0, t1, t2, t3):
        insems = (s0, s1, s2, s3)
        osems = (t0, t1, t2, t3)
        w = lax.axis_index("s") * info.num_cores + lax.axis_index("c")
        b = w // parts
        mb0 = (w % parts) * mper
        pltpu.sync_copy(idx_hbm.at[b].at[pl.ds(mb0, mper)], idx_v)
        table = ft_hbm.at[b]
        out_b = out_hbm.at[b]

        def in_start(ch, k):
            pltpu.async_copy(
                table.at[idx_v.at[pl.ds(ch * _CHUNK, _CHUNK)]],
                g_v.at[k], insems[k])

        def in_wait(k):
            pltpu.make_async_copy(
                table.at[idx_v.at[pl.ds(0, _CHUNK)]],
                g_v.at[k], insems[k]).wait()

        def out_start(ch, k):
            pltpu.async_copy(
                g_v.at[k], out_b.at[pl.ds(mb0 + ch * _CHUNK, _CHUNK)],
                osems[k])

        def out_wait(k):
            pltpu.make_async_copy(
                g_v.at[k], out_b.at[pl.ds(0, _CHUNK)], osems[k]).wait()

        in_start(0, 0)
        in_start(1, 1)

        def grp(g, carry):
            for k in range(_NBUF):
                ch = g * _NBUF + k
                in_wait(k)
                out_start(ch, k)
                q = (k + 2) % _NBUF
                if k >= 2:
                    @pl.when(ch + 2 < nch)
                    def _():
                        out_wait(q)
                        in_start(ch + 2, q)
                else:
                    @pl.when(g > 0)
                    def _():
                        out_wait(q)
                    in_start(ch + 2, q)
            return carry

        lax.fori_loop(0, nch // _NBUF, grp, 0)
        for k in range(_NBUF):
            out_wait(k)

    return pl.kernel(
        body,
        out_type=jax.ShapeDtypeStruct((nb, m, c), jnp.float32),
        mesh=plsc.VectorSubcoreMesh(core_axis_name="c", subcore_axis_name="s"),
        scratch_types=[
            pltpu.VMEM((m // (num_workers // nb),), jnp.int32),
            pltpu.VMEM((_NBUF, _CHUNK, c), jnp.float32),
            pltpu.SemaphoreType.DMA,
            pltpu.SemaphoreType.DMA,
            pltpu.SemaphoreType.DMA,
            pltpu.SemaphoreType.DMA,
            pltpu.SemaphoreType.DMA,
            pltpu.SemaphoreType.DMA,
            pltpu.SemaphoreType.DMA,
            pltpu.SemaphoreType.DMA,
        ],
        compiler_params=pltpu.CompilerParams(needs_layout_passes=False),
    )


def kernel(features, idx):
    nb, c, n = features.shape
    m = idx.shape[1]
    ft = jnp.swapaxes(features, 1, 2)
    idx32 = idx.astype(jnp.int32)
    gather = _build_sc_gather(nb, n, c, m)
    out3 = gather(ft, idx32)
    return jnp.swapaxes(out3, 1, 2)

# --- scband reference (transcript-rebuilt; emitter-appended) ---
"""Pipeline reference for scband-gather-operation-58969900974727 (READ-ONLY COPY).

The authoritative reference and input builder live on the scoring server;
editing this copy changes nothing except your own understanding.
"""

import jax, jax.numpy as jnp
import numpy as np

B, C, N, M = 16, 128, 50000, 16384

def setup_inputs(seed: int = 0) -> dict:
    key = jax.random.key(seed)
    k1, k2 = jax.random.split(key)
    features = jax.random.normal(k1, (B, C, N), dtype=jnp.float32)
    idx = jax.random.randint(k2, (B, M), 0, N, dtype=jnp.int64)
    return {"features": features, "idx": idx}

def reference(features, idx):
    # gather_points: out[b, c, m] = features[b, c, idx[b, m]]
    Bv, Cv, Nv = features.shape
    Mv = idx.shape[1]
    idx_expanded = jnp.broadcast_to(idx[:, None, :], (Bv, Cv, Mv))
    out = jnp.take_along_axis(features, idx_expanded, axis=2)
    return out

if __name__ == "__main__":
    import jax
    _d = setup_inputs()
    print(jax.jit(kernel)(*tuple(_d.values())))

</pallas_src>

<mosaic_0001>
#map = affine_map<(d0, d1) -> (0, 0, 0)>
#map1 = affine_map<(d0, d1) -> (0, 0)>
module attributes {stable_mosaic.version = 14 : i64} {
  func.func @body(%arg0: i32, %arg1: i32, %arg2: memref<16x50000x128xf32, #tpu.memory_space<hbm>>, %arg3: memref<16x16384xi32, #tpu.memory_space<hbm>>, %arg4: memref<16x16384x128xf32, #tpu.memory_space<hbm>>, %arg5: memref<8192xi32, #tpu.memory_space<vmem>>, %arg6: memref<4x128x128xf32, #tpu.memory_space<vmem>>, %arg7: memref<!tpu.dma_semaphore, #tpu.memory_space<semaphore_mem>>, %arg8: memref<!tpu.dma_semaphore, #tpu.memory_space<semaphore_mem>>, %arg9: memref<!tpu.dma_semaphore, #tpu.memory_space<semaphore_mem>>, %arg10: memref<!tpu.dma_semaphore, #tpu.memory_space<semaphore_mem>>, %arg11: memref<!tpu.dma_semaphore, #tpu.memory_space<semaphore_mem>>, %arg12: memref<!tpu.dma_semaphore, #tpu.memory_space<semaphore_mem>>, %arg13: memref<!tpu.dma_semaphore, #tpu.memory_space<semaphore_mem>>, %arg14: memref<!tpu.dma_semaphore, #tpu.memory_space<semaphore_mem>>) attributes {dimension_semantics = [#tpu.dimension_semantics<core_parallel>, #tpu.dimension_semantics<subcore_parallel>], iteration_bounds = array<i64: 2, 16>, scalar_prefetch = 0 : i64, scratch_operands = 10 : i64, tpu.core_type = #tpu.core_type<sc_vector_subcore>, window_params = [{transform_indices = #map}, {transform_indices = #map1}, {transform_indices = #map}]} {
    %mul3A = arith.constant 2 : i32
    %mul3A_0 = arith.muli %arg1, %mul3A : i32
    %add3A = arith.addi %mul3A_0, %arg0 : i32
    %jit3A = arith.constant 2 : i32
    %div3A = arith.divsi %add3A, %jit3A : i32
    %sign3A = arith.constant 0 : i32
    %sign3A_1 = arith.cmpi sgt, %add3A, %sign3A : i32
    %sign3A_2 = arith.extui %sign3A_1 : i1 to i32
    %sign3A_3 = arith.constant 0 : i32
    %sign3A_4 = arith.cmpi slt, %add3A, %sign3A_3 : i32
    %sign3A_5 = arith.extui %sign3A_4 : i1 to i32
    %sign3A_6 = arith.subi %sign3A_2, %sign3A_5 : i32
    %sign3A_7 = arith.constant 0 : i32
    %sign3A_8 = arith.cmpi sgt, %jit3A, %sign3A_7 : i32
    %sign3A_9 = arith.extui %sign3A_8 : i1 to i32
    %sign3A_10 = arith.constant 0 : i32
    %sign3A_11 = arith.cmpi slt, %jit3A, %sign3A_10 : i32
    %sign3A_12 = arith.extui %sign3A_11 : i1 to i32
    %sign3A_13 = arith.subi %sign3A_9, %sign3A_12 : i32
    %ne3A = arith.cmpi ne, %sign3A_6, %sign3A_13 : i32
    %rem3A = arith.remsi %add3A, %jit3A : i32
    %ne3A_14 = arith.constant 0 : i32
    %ne3A_15 = arith.cmpi ne, %rem3A, %ne3A_14 : i32
    %and3A = arith.andi %ne3A, %ne3A_15 : i1
    %sub3A = arith.constant 1 : i32
    %sub3A_16 = arith.subi %div3A, %sub3A : i32
    %select_n3A = arith.select %and3A, %sub3A_16, %div3A : i32
    %jit3A_17 = arith.constant 2 : i32
    %eq3A = arith.constant 0 : i32
    %eq3A_18 = arith.cmpi eq, %jit3A_17, %eq3A : i32
    %jit3A_19 = arith.constant 1 : i32
    %select_n3A_20 = arith.select %eq3A_18, %jit3A_19, %jit3A_17 : i32
    %rem3A_21 = arith.remsi %add3A, %select_n3A_20 : i32
    %ne3A_22 = arith.constant 0 : i32
    %ne3A_23 = arith.cmpi ne, %rem3A_21, %ne3A_22 : i32
    %lt3A = arith.constant 0 : i32
    %lt3A_24 = arith.cmpi slt, %rem3A_21, %lt3A : i32
    %lt3A_25 = arith.constant 0 : i32
    %lt3A_26 = arith.cmpi slt, %select_n3A_20, %lt3A_25 : i32
    %ne3A_27 = arith.xori %lt3A_24, %lt3A_26 : i1
    %and3A_28 = arith.andi %ne3A_27, %ne3A_23 : i1
    %add3A_29 = arith.addi %rem3A_21, %select_n3A_20 : i32
    %select_n3A_30 = arith.select %and3A_28, %add3A_29, %rem3A_21 : i32
    %mul3A_31 = arith.constant 8192 : i32
    %mul3A_32 = arith.muli %select_n3A_30, %mul3A_31 : i32
    "tpu.region"() ({
      %run_scoped3A = tpu.sem_alloc : memref<!tpu.dma_semaphore, #tpu.memory_space<semaphore_mem>>
      %dma_start3A_156 = arith.constant 0 : i32
      %dma_start3A_157 = tpu.memref_slice %arg3[%select_n3A, %dma_start3A_156] : memref<16x16384xi32, #tpu.memory_space<hbm>> -> memref<1x16384xi32, #tpu.memory_space<hbm>>
      %dma_start3A_158 = tpu.memref_squeeze %dma_start3A_157 : memref<1x16384xi32, #tpu.memory_space<hbm>> -> memref<16384xi32, #tpu.memory_space<hbm>>
      %dma_start3A_159 = tpu.memref_slice %dma_start3A_158[%mul3A_32] : memref<16384xi32, #tpu.memory_space<hbm>> -> memref<8192xi32, #tpu.memory_space<hbm>>
      %dma_start3A_160 = arith.constant 0 : i32
      %dma_start3A_161 = tpu.memref_slice %arg3[%select_n3A, %dma_start3A_160] : memref<16x16384xi32, #tpu.memory_space<hbm>> -> memref<1x16384xi32, #tpu.memory_space<hbm>>
      %dma_start3A_162 = tpu.memref_squeeze %dma_start3A_161 : memref<1x16384xi32, #tpu.memory_space<hbm>> -> memref<16384xi32, #tpu.memory_space<hbm>>
      %dma_start3A_163 = tpu.memref_slice %dma_start3A_162[%mul3A_32] : memref<16384xi32, #tpu.memory_space<hbm>> -> memref<8192xi32, #tpu.memory_space<hbm>>
      tpu.enqueue_dma source(%dma_start3A_163 : memref<8192xi32, #tpu.memory_space<hbm>>) target(%arg5 : memref<8192xi32, #tpu.memory_space<vmem>>) target_semaphore(%run_scoped3A : memref<!tpu.dma_semaphore, #tpu.memory_space<semaphore_mem>>)
      %dma_wait3A_164 = arith.constant 0 : i32
      %dma_wait3A_165 = tpu.memref_slice %arg3[%select_n3A, %dma_wait3A_164] : memref<16x16384xi32, #tpu.memory_space<hbm>> -> memref<1x16384xi32, #tpu.memory_space<hbm>>
      %dma_wait3A_166 = tpu.memref_squeeze %dma_wait3A_165 : memref<1x16384xi32, #tpu.memory_space<hbm>> -> memref<16384xi32, #tpu.memory_space<hbm>>
      %dma_wait3A_167 = tpu.memref_slice %dma_wait3A_166[%mul3A_32] : memref<16384xi32, #tpu.memory_space<hbm>> -> memref<8192xi32, #tpu.memory_space<hbm>>
      %dma_wait3A_168 = arith.constant 0 : i32
      %dma_wait3A_169 = tpu.memref_slice %arg3[%select_n3A, %dma_wait3A_168] : memref<16x16384xi32, #tpu.memory_space<hbm>> -> memref<1x16384xi32, #tpu.memory_space<hbm>>
      %dma_wait3A_170 = tpu.memref_squeeze %dma_wait3A_169 : memref<1x16384xi32, #tpu.memory_space<hbm>> -> memref<16384xi32, #tpu.memory_space<hbm>>
      %dma_wait3A_171 = tpu.memref_slice %dma_wait3A_170[%mul3A_32] : memref<16384xi32, #tpu.memory_space<hbm>> -> memref<8192xi32, #tpu.memory_space<hbm>>
      tpu.wait_dma2 semaphore(%run_scoped3A : memref<!tpu.dma_semaphore, #tpu.memory_space<semaphore_mem>>) src(%dma_wait3A_171 : memref<8192xi32, #tpu.memory_space<hbm>>) dst(%arg5 : memref<8192xi32, #tpu.memory_space<vmem>>)
      tpu.yield
    }) : () -> ()
    %dma_start3A = arith.constant 0 : i32
    %dma_start3A_33 = arith.constant 0 : i32
    %dma_start3A_34 = arith.constant 0 : i32
    %dma_start3A_35 = tpu.memref_slice %arg6[%dma_start3A, %dma_start3A_33, %dma_start3A_34] : memref<4x128x128xf32, #tpu.memory_space<vmem>> -> memref<1x128x128xf32, #tpu.memory_space<vmem>>
    %dma_start3A_36 = tpu.memref_squeeze %dma_start3A_35 : memref<1x128x128xf32, #tpu.memory_space<vmem>> -> memref<128x128xf32, #tpu.memory_space<vmem>>
    %dma_start3A_37 = arith.constant 0 : i32
    %dma_start3A_38 = tpu.memref_slice %arg5[%dma_start3A_37] : memref<8192xi32, #tpu.memory_space<vmem>> -> memref<128xi32, #tpu.memory_space<vmem>>
    %dma_start3A_39 = arith.constant 0 : i32
    %dma_start3A_40 = arith.constant 0 : i32
    %dma_start3A_41 = tpu.memref_slice %arg2[%select_n3A, %dma_start3A_39, %dma_start3A_40] : memref<16x50000x128xf32, #tpu.memory_space<hbm>> -> memref<1x50000x128xf32, #tpu.memory_space<hbm>>
    %dma_start3A_42 = tpu.memref_squeeze %dma_start3A_41 : memref<1x50000x128xf32, #tpu.memory_space<hbm>> -> memref<50000x128xf32, #tpu.memory_space<hbm>>
    %dma_start3A_43 = arith.constant 0 : i32
    %dma_start3A_44 = arith.constant 0 : i32
    %dma_start3A_45 = tpu.memref_slice %dma_start3A_42[%dma_start3A_43, %dma_start3A_44] : memref<50000x128xf32, #tpu.memory_space<hbm>> -> memref<50000x128xf32, #tpu.memory_space<hbm>>
    tpu.enqueue_indirect_dma source(%dma_start3A_45 : memref<50000x128xf32, #tpu.memory_space<hbm>>) target(%dma_start3A_36 : memref<128x128xf32, #tpu.memory_space<vmem>>) offsets(%dma_start3A_38 : memref<128xi32, #tpu.memory_space<vmem>>) semaphore(%arg7 : memref<!tpu.dma_semaphore, #tpu.memory_space<semaphore_mem>>)
    %dma_start3A_46 = arith.constant 1 : i32
    %dma_start3A_47 = arith.constant 0 : i32
    %dma_start3A_48 = arith.constant 0 : i32
    %dma_start3A_49 = tpu.memref_slice %arg6[%dma_start3A_46, %dma_start3A_47, %dma_start3A_48] : memref<4x128x128xf32, #tpu.memory_space<vmem>> -> memref<1x128x128xf32, #tpu.memory_space<vmem>>
    %dma_start3A_50 = tpu.memref_squeeze %dma_start3A_49 : memref<1x128x128xf32, #tpu.memory_space<vmem>> -> memref<128x128xf32, #tpu.memory_space<vmem>>
    %dma_start3A_51 = arith.constant 128 : i32
    %dma_start3A_52 = tpu.memref_slice %arg5[%dma_start3A_51] : memref<8192xi32, #tpu.memory_space<vmem>> -> memref<128xi32, #tpu.memory_space<vmem>>
    %dma_start3A_53 = arith.constant 0 : i32
    %dma_start3A_54 = arith.constant 0 : i32
    %dma_start3A_55 = tpu.memref_slice %arg2[%select_n3A, %dma_start3A_53, %dma_start3A_54] : memref<16x50000x128xf32, #tpu.memory_space<hbm>> -> memref<1x50000x128xf32, #tpu.memory_space<hbm>>
    %dma_start3A_56 = tpu.memref_squeeze %dma_start3A_55 : memref<1x50000x128xf32, #tpu.memory_space<hbm>> -> memref<50000x128xf32, #tpu.memory_space<hbm>>
    %dma_start3A_57 = arith.constant 0 : i32
    %dma_start3A_58 = arith.constant 0 : i32
    %dma_start3A_59 = tpu.memref_slice %dma_start3A_56[%dma_start3A_57, %dma_start3A_58] : memref<50000x128xf32, #tpu.memory_space<hbm>> -> memref<50000x128xf32, #tpu.memory_space<hbm>>
    tpu.enqueue_indirect_dma source(%dma_start3A_59 : memref<50000x128xf32, #tpu.memory_space<hbm>>) target(%dma_start3A_50 : memref<128x128xf32, #tpu.memory_space<vmem>>) offsets(%dma_start3A_52 : memref<128xi32, #tpu.memory_space<vmem>>) semaphore(%arg8 : memref<!tpu.dma_semaphore, #tpu.memory_space<semaphore_mem>>)
    %scan3A = arith.constant 0 : i32
    %scan3A_60 = arith.constant 0 : i32
    %scan3A_61 = arith.constant 16 : i32
    %scan3A_62 = arith.addi %scan3A_60, %scan3A_61 : i32
    %scan3A_63 = arith.constant 1 : i32
    scf.for %scan3A_156 = %scan3A_60 to %scan3A_62 step %scan3A_63  : i32 {
      %mul3A_157 = arith.constant 4 : i32
      %mul3A_158 = arith.muli %scan3A_156, %mul3A_157 : i32
      %add3A_159 = arith.constant 0 : i32
      %add3A_160 = arith.addi %mul3A_158, %add3A_159 : i32
      %dma_wait3A_161 = arith.constant 0 : i32
      %dma_wait3A_162 = arith.constant 0 : i32
      %dma_wait3A_163 = arith.constant 0 : i32
      %dma_wait3A_164 = tpu.memref_slice %arg6[%dma_wait3A_161, %dma_wait3A_162, %dma_wait3A_163] : memref<4x128x128xf32, #tpu.memory_space<vmem>> -> memref<1x128x128xf32, #tpu.memory_space<vmem>>
      %dma_wait3A_165 = tpu.memref_squeeze %dma_wait3A_164 : memref<1x128x128xf32, #tpu.memory_space<vmem>> -> memref<128x128xf32, #tpu.memory_space<vmem>>
      %dma_wait3A_166 = arith.constant 0 : i32
      %dma_wait3A_167 = tpu.memref_slice %arg5[%dma_wait3A_166] : memref<8192xi32, #tpu.memory_space<vmem>> -> memref<128xi32, #tpu.memory_space<vmem>>
      %dma_wait3A_168 = arith.constant 0 : i32
      %dma_wait3A_169 = arith.constant 0 : i32
      %dma_wait3A_170 = tpu.memref_slice %arg2[%select_n3A, %dma_wait3A_168, %dma_wait3A_169] : memref<16x50000x128xf32, #tpu.memory_space<hbm>> -> memref<1x50000x128xf32, #tpu.memory_space<hbm>>
      %dma_wait3A_171 = tpu.memref_squeeze %dma_wait3A_170 : memref<1x50000x128xf32, #tpu.memory_space<hbm>> -> memref<50000x128xf32, #tpu.memory_space<hbm>>
      %dma_wait3A_172 = arith.constant 0 : i32
      %dma_wait3A_173 = arith.constant 0 : i32
      %dma_wait3A_174 = tpu.memref_slice %dma_wait3A_171[%dma_wait3A_172, %dma_wait3A_173] : memref<50000x128xf32, #tpu.memory_space<hbm>> -> memref<50000x128xf32, #tpu.memory_space<hbm>>
      tpu.wait_indirect_dma semaphore(%arg7 : memref<!tpu.dma_semaphore, #tpu.memory_space<semaphore_mem>>) src(%dma_wait3A_174 : memref<50000x128xf32, #tpu.memory_space<hbm>>) dst(%dma_wait3A_165 : memref<128x128xf32, #tpu.memory_space<vmem>>)
      %mul3A_175 = arith.constant 128 : i32
      %mul3A_176 = arith.muli %add3A_160, %mul3A_175 : i32
      %add3A_177 = arith.addi %mul3A_32, %mul3A_176 : i32
      %dma_start3A_178 = arith.constant 0 : i32
      %dma_start3A_179 = arith.constant 0 : i32
      %dma_start3A_180 = arith.constant 0 : i32
      %dma_start3A_181 = tpu.memref_slice %arg6[%dma_start3A_178, %dma_start3A_179, %dma_start3A_180] : memref<4x128x128xf32, #tpu.memory_space<vmem>> -> memref<1x128x128xf32, #tpu.memory_space<vmem>>
      %dma_start3A_182 = tpu.memref_squeeze %dma_start3A_181 : memref<1x128x128xf32, #tpu.memory_space<vmem>> -> memref<128x128xf32, #tpu.memory_space<vmem>>
      %dma_start3A_183 = arith.constant 0 : i32
      %dma_start3A_184 = arith.constant 0 : i32
      %dma_start3A_185 = tpu.memref_slice %arg4[%select_n3A, %dma_start3A_183, %dma_start3A_184] : memref<16x16384x128xf32, #tpu.memory_space<hbm>> -> memref<1x16384x128xf32, #tpu.memory_space<hbm>>
      %dma_start3A_186 = tpu.memref_squeeze %dma_start3A_185 : memref<1x16384x128xf32, #tpu.memory_space<hbm>> -> memref<16384x128xf32, #tpu.memory_space<hbm>>
      %dma_start3A_187 = arith.constant 0 : i32
      %dma_start3A_188 = tpu.memref_slice %dma_start3A_186[%add3A_177, %dma_start3A_187] : memref<16384x128xf32, #tpu.memory_space<hbm>> -> memref<128x128xf32, #tpu.memory_space<hbm>>
      %dma_start3A_189 = arith.constant 0 : i32
      %dma_start3A_190 = arith.constant 0 : i32
      %dma_start3A_191 = tpu.memref_slice %arg4[%select_n3A, %dma_start3A_189, %dma_start3A_190] : memref<16x16384x128xf32, #tpu.memory_space<hbm>> -> memref<1x16384x128xf32, #tpu.memory_space<hbm>>
      %dma_start3A_192 = tpu.memref_squeeze %dma_start3A_191 : memref<1x16384x128xf32, #tpu.memory_space<hbm>> -> memref<16384x128xf32, #tpu.memory_space<hbm>>
      %dma_start3A_193 = arith.constant 0 : i32
      %dma_start3A_194 = tpu.memref_slice %dma_start3A_192[%add3A_177, %dma_start3A_193] : memref<16384x128xf32, #tpu.memory_space<hbm>> -> memref<128x128xf32, #tpu.memory_space<hbm>>
      %dma_start3A_195 = arith.constant 0 : i32
      %dma_start3A_196 = arith.constant 0 : i32
      %dma_start3A_197 = tpu.memref_slice %arg6[%dma_start3A_178, %dma_start3A_195, %dma_start3A_196] : memref<4x128x128xf32, #tpu.memory_space<vmem>> -> memref<1x128x128xf32, #tpu.memory_space<vmem>>
      %dma_start3A_198 = tpu.memref_squeeze %dma_start3A_197 : memref<1x128x128xf32, #tpu.memory_space<vmem>> -> memref<128x128xf32, #tpu.memory_space<vmem>>
      tpu.enqueue_dma source(%dma_start3A_198 : memref<128x128xf32, #tpu.memory_space<vmem>>) target(%dma_start3A_194 : memref<128x128xf32, #tpu.memory_space<hbm>>) target_semaphore(%arg11 : memref<!tpu.dma_semaphore, #tpu.memory_space<semaphore_mem>>)
      %gt3A = arith.constant 0 : i32
      %gt3A_199 = arith.cmpi sgt, %scan3A_156, %gt3A : i32
      %convert_element_type3A = arith.extui %gt3A_199 : i1 to i32
      %cond3A = arith.constant 0 : i32
      %cond3A_200 = arith.cmpi ne, %convert_element_type3A, %cond3A : i32
      scf.if %cond3A_200 {
        %dma_wait3A_380 = arith.constant 2 : i32
        %dma_wait3A_381 = arith.constant 0 : i32
        %dma_wait3A_382 = arith.constant 0 : i32
        %dma_wait3A_383 = tpu.memref_slice %arg6[%dma_wait3A_380, %dma_wait3A_381, %dma_wait3A_382] : memref<4x128x128xf32, #tpu.memory_space<vmem>> -> memref<1x128x128xf32, #tpu.memory_space<vmem>>
        %dma_wait3A_384 = tpu.memref_squeeze %dma_wait3A_383 : memref<1x128x128xf32, #tpu.memory_space<vmem>> -> memref<128x128xf32, #tpu.memory_space<vmem>>
        %dma_wait3A_385 = arith.constant 0 : i32
        %dma_wait3A_386 = arith.constant 0 : i32
        %dma_wait3A_387 = tpu.memref_slice %arg4[%select_n3A, %dma_wait3A_385, %dma_wait3A_386] : memref<16x16384x128xf32, #tpu.memory_space<hbm>> -> memref<1x16384x128xf32, #tpu.memory_space<hbm>>
        %dma_wait3A_388 = tpu.memref_squeeze %dma_wait3A_387 : memref<1x16384x128xf32, #tpu.memory_space<hbm>> -> memref<16384x128xf32, #tpu.memory_space<hbm>>
        %dma_wait3A_389 = arith.constant 0 : i32
        %dma_wait3A_390 = arith.constant 0 : i32
        %dma_wait3A_391 = tpu.memref_slice %dma_wait3A_388[%dma_wait3A_389, %dma_wait3A_390] : memref<16384x128xf32, #tpu.memory_space<hbm>> -> memref<128x128xf32, #tpu.memory_space<hbm>>
        %dma_wait3A_392 = arith.constant 0 : i32
        %dma_wait3A_393 = arith.constant 0 : i32
        %dma_wait3A_394 = tpu.memref_slice %arg4[%select_n3A, %dma_wait3A_392, %dma_wait3A_393] : memref<16x16384x128xf32, #tpu.memory_space<hbm>> -> memref<1x16384x128xf32, #tpu.memory_space<hbm>>
        %dma_wait3A_395 = tpu.memref_squeeze %dma_wait3A_394 : memref<1x16384x128xf32, #tpu.memory_space<hbm>> -> memref<16384x128xf32, #tpu.memory_space<hbm>>
        %dma_wait3A_396 = arith.constant 0 : i32
        %dma_wait3A_397 = arith.constant 0 : i32
        %dma_wait3A_398 = tpu.memref_slice %dma_wait3A_395[%dma_wait3A_396, %dma_wait3A_397] : memref<16384x128xf32, #tpu.memory_space<hbm>> -> memref<128x128xf32, #tpu.memory_space<hbm>>
        %dma_wait3A_399 = arith.constant 0 : i32
        %dma_wait3A_400 = arith.constant 0 : i32
        %dma_wait3A_401 = tpu.memref_slice %arg6[%dma_wait3A_380, %dma_wait3A_399, %dma_wait3A_400] : memref<4x128x128xf32, #tpu.memory_space<vmem>> -> memref<1x128x128xf32, #tpu.memory_space<vmem>>
        %dma_wait3A_402 = tpu.memref_squeeze %dma_wait3A_401 : memref<1x128x128xf32, #tpu.memory_space<vmem>> -> memref<128x128xf32, #tpu.memory_space<vmem>>
        tpu.wait_dma2 semaphore(%arg13 : memref<!tpu.dma_semaphore, #tpu.memory_space<semaphore_mem>>) src(%dma_wait3A_402 : memref<128x128xf32, #tpu.memory_space<vmem>>) dst(%dma_wait3A_398 : memref<128x128xf32, #tpu.memory_space<hbm>>)
      } else {
      }
      %add3A_201 = arith.constant 2 : i32
      %add3A_202 = arith.addi %add3A_160, %add3A_201 : i32
      %mul3A_203 = arith.constant 128 : i32
      %mul3A_204 = arith.muli %add3A_202, %mul3A_203 : i32
      %dma_start3A_205 = arith.constant 2 : i32
      %dma_start3A_206 = arith.constant 0 : i32
      %dma_start3A_207 = arith.constant 0 : i32
      %dma_start3A_208 = tpu.memref_slice %arg6[%dma_start3A_205, %dma_start3A_206, %dma_start3A_207] : memref<4x128x128xf32, #tpu.memory_space<vmem>> -> memref<1x128x128xf32, #tpu.memory_space<vmem>>
      %dma_start3A_209 = tpu.memref_squeeze %dma_start3A_208 : memref<1x128x128xf32, #tpu.memory_space<vmem>> -> memref<128x128xf32, #tpu.memory_space<vmem>>
      %dma_start3A_210 = tpu.memref_slice %arg5[%mul3A_204] : memref<8192xi32, #tpu.memory_space<vmem>> -> memref<128xi32, #tpu.memory_space<vmem>>
      %dma_start3A_211 = arith.constant 0 : i32
      %dma_start3A_212 = arith.constant 0 : i32
      %dma_start3A_213 = tpu.memref_slice %arg2[%select_n3A, %dma_start3A_211, %dma_start3A_212] : memref<16x50000x128xf32, #tpu.memory_space<hbm>> -> memref<1x50000x128xf32, #tpu.memory_space<hbm>>
      %dma_start3A_214 = tpu.memref_squeeze %dma_start3A_213 : memref<1x50000x128xf32, #tpu.memory_space<hbm>> -> memref<50000x128xf32, #tpu.memory_space<hbm>>
      %dma_start3A_215 = arith.constant 0 : i32
      %dma_start3A_216 = arith.constant 0 : i32
      %dma_start3A_217 = tpu.memref_slice %dma_start3A_214[%dma_start3A_215, %dma_start3A_216] : memref<50000x128xf32, #tpu.memory_space<hbm>> -> memref<50000x128xf32, #tpu.memory_space<hbm>>
      tpu.enqueue_indirect_dma source(%dma_start3A_217 : memref<50000x128xf32, #tpu.memory_space<hbm>>) target(%dma_start3A_209 : memref<128x128xf32, #tpu.memory_space<vmem>>) offsets(%dma_start3A_210 : memref<128xi32, #tpu.memory_space<vmem>>) semaphore(%arg9 : memref<!tpu.dma_semaphore, #tpu.memory_space<semaphore_mem>>)
      %mul3A_218 = arith.constant 4 : i32
      %mul3A_219 = arith.muli %scan3A_156, %mul3A_218 : i32
      %add3A_220 = arith.constant 1 : i32
      %add3A_221 = arith.addi %mul3A_219, %add3A_220 : i32
      %dma_wait3A_222 = arith.constant 1 : i32
      %dma_wait3A_223 = arith.constant 0 : i32
      %dma_wait3A_224 = arith.constant 0 : i32
      %dma_wait3A_225 = tpu.memref_slice %arg6[%dma_wait3A_222, %dma_wait3A_223, %dma_wait3A_224] : memref<4x128x128xf32, #tpu.memory_space<vmem>> -> memref<1x128x128xf32, #tpu.memory_space<vmem>>
      %dma_wait3A_226 = tpu.memref_squeeze %dma_wait3A_225 : memref<1x128x128xf32, #tpu.memory_space<vmem>> -> memref<128x128xf32, #tpu.memory_space<vmem>>
      %dma_wait3A_227 = arith.constant 0 : i32
      %dma_wait3A_228 = tpu.memref_slice %arg5[%dma_wait3A_227] : memref<8192xi32, #tpu.memory_space<vmem>> -> memref<128xi32, #tpu.memory_space<vmem>>
      %dma_wait3A_229 = arith.constant 0 : i32
      %dma_wait3A_230 = arith.constant 0 : i32
      %dma_wait3A_231 = tpu.memref_slice %arg2[%select_n3A, %dma_wait3A_229, %dma_wait3A_230] : memref<16x50000x128xf32, #tpu.memory_space<hbm>> -> memref<1x50000x128xf32, #tpu.memory_space<hbm>>
      %dma_wait3A_232 = tpu.memref_squeeze %dma_wait3A_231 : memref<1x50000x128xf32, #tpu.memory_space<hbm>> -> memref<50000x128xf32, #tpu.memory_space<hbm>>
      %dma_wait3A_233 = arith.constant 0 : i32
      %dma_wait3A_234 = arith.constant 0 : i32
      %dma_wait3A_235 = tpu.memref_slice %dma_wait3A_232[%dma_wait3A_233, %dma_wait3A_234] : memref<50000x128xf32, #tpu.memory_space<hbm>> -> memref<50000x128xf32, #tpu.memory_space<hbm>>
      tpu.wait_indirect_dma semaphore(%arg8 : memref<!tpu.dma_semaphore, #tpu.memory_space<semaphore_mem>>) src(%dma_wait3A_235 : memref<50000x128xf32, #tpu.memory_space<hbm>>) dst(%dma_wait3A_226 : memref<128x128xf32, #tpu.memory_space<vmem>>)
      %mul3A_236 = arith.constant 128 : i32
      %mul3A_237 = arith.muli %add3A_221, %mul3A_236 : i32
      %add3A_238 = arith.addi %mul3A_32, %mul3A_237 : i32
      %dma_start3A_239 = arith.constant 1 : i32
      %dma_start3A_240 = arith.constant 0 : i32
      %dma_start3A_241 = arith.constant 0 : i32
      %dma_start3A_242 = tpu.memref_slice %arg6[%dma_start3A_239, %dma_start3A_240, %dma_start3A_241] : memref<4x128x128xf32, #tpu.memory_space<vmem>> -> memref<1x128x128xf32, #tpu.memory_space<vmem>>
      %dma_start3A_243 = tpu.memref_squeeze %dma_start3A_242 : memref<1x128x128xf32, #tpu.memory_space<vmem>> -> memref<128x128xf32, #tpu.memory_space<vmem>>
      %dma_start3A_244 = arith.constant 0 : i32
      %dma_start3A_245 = arith.constant 0 : i32
      %dma_start3A_246 = tpu.memref_slice %arg4[%select_n3A, %dma_start3A_244, %dma_start3A_245] : memref<16x16384x128xf32, #tpu.memory_space<hbm>> -> memref<1x16384x128xf32, #tpu.memory_space<hbm>>
      %dma_start3A_247 = tpu.memref_squeeze %dma_start3A_246 : memref<1x16384x128xf32, #tpu.memory_space<hbm>> -> memref<16384x128xf32, #tpu.memory_space<hbm>>
      %dma_start3A_248 = arith.constant 0 : i32
      %dma_start3A_249 = tpu.memref_slice %dma_start3A_247[%add3A_238, %dma_start3A_248] : memref<16384x128xf32, #tpu.memory_space<hbm>> -> memref<128x128xf32, #tpu.memory_space<hbm>>
      %dma_start3A_250 = arith.constant 0 : i32
      %dma_start3A_251 = arith.constant 0 : i32
      %dma_start3A_252 = tpu.memref_slice %arg4[%select_n3A, %dma_start3A_250, %dma_start3A_251] : memref<16x16384x128xf32, #tpu.memory_space<hbm>> -> memref<1x16384x128xf32, #tpu.memory_space<hbm>>
      %dma_start3A_253 = tpu.memref_squeeze %dma_start3A_252 : memref<1x16384x128xf32, #tpu.memory_space<hbm>> -> memref<16384x128xf32, #tpu.memory_space<hbm>>
      %dma_start3A_254 = arith.constant 0 : i32
      %dma_start3A_255 = tpu.memref_slice %dma_start3A_253[%add3A_238, %dma_start3A_254] : memref<16384x128xf32, #tpu.memory_space<hbm>> -> memref<128x128xf32, #tpu.memory_space<hbm>>
      %dma_start3A_256 = arith.constant 0 : i32
      %dma_start3A_257 = arith.constant 0 : i32
      %dma_start3A_258 = tpu.memref_slice %arg6[%dma_start3A_239, %dma_start3A_256, %dma_start3A_257] : memref<4x128x128xf32, #tpu.memory_space<vmem>> -> memref<1x128x128xf32, #tpu.memory_space<vmem>>
      %dma_start3A_259 = tpu.memref_squeeze %dma_start3A_258 : memref<1x128x128xf32, #tpu.memory_space<vmem>> -> memref<128x128xf32, #tpu.memory_space<vmem>>
      tpu.enqueue_dma source(%dma_start3A_259 : memref<128x128xf32, #tpu.memory_space<vmem>>) target(%dma_start3A_255 : memref<128x128xf32, #tpu.memory_space<hbm>>) target_semaphore(%arg12 : memref<!tpu.dma_semaphore, #tpu.memory_space<semaphore_mem>>)
      %gt3A_260 = arith.constant 0 : i32
      %gt3A_261 = arith.cmpi sgt, %scan3A_156, %gt3A_260 : i32
      %convert_element_type3A_262 = arith.extui %gt3A_261 : i1 to i32
      %cond3A_263 = arith.constant 0 : i32
      %cond3A_264 = arith.cmpi ne, %convert_element_type3A_262, %cond3A_263 : i32
      scf.if %cond3A_264 {
        %dma_wait3A_380 = arith.constant 3 : i32
        %dma_wait3A_381 = arith.constant 0 : i32
        %dma_wait3A_382 = arith.constant 0 : i32
        %dma_wait3A_383 = tpu.memref_slice %arg6[%dma_wait3A_380, %dma_wait3A_381, %dma_wait3A_382] : memref<4x128x128xf32, #tpu.memory_space<vmem>> -> memref<1x128x128xf32, #tpu.memory_space<vmem>>
        %dma_wait3A_384 = tpu.memref_squeeze %dma_wait3A_383 : memref<1x128x128xf32, #tpu.memory_space<vmem>> -> memref<128x128xf32, #tpu.memory_space<vmem>>
        %dma_wait3A_385 = arith.constant 0 : i32
        %dma_wait3A_386 = arith.constant 0 : i32
        %dma_wait3A_387 = tpu.memref_slice %arg4[%select_n3A, %dma_wait3A_385, %dma_wait3A_386] : memref<16x16384x128xf32, #tpu.memory_space<hbm>> -> memref<1x16384x128xf32, #tpu.memory_space<hbm>>
        %dma_wait3A_388 = tpu.memref_squeeze %dma_wait3A_387 : memref<1x16384x128xf32, #tpu.memory_space<hbm>> -> memref<16384x128xf32, #tpu.memory_space<hbm>>
        %dma_wait3A_389 = arith.constant 0 : i32
        %dma_wait3A_390 = arith.constant 0 : i32
        %dma_wait3A_391 = tpu.memref_slice %dma_wait3A_388[%dma_wait3A_389, %dma_wait3A_390] : memref<16384x128xf32, #tpu.memory_space<hbm>> -> memref<128x128xf32, #tpu.memory_space<hbm>>
        %dma_wait3A_392 = arith.constant 0 : i32
        %dma_wait3A_393 = arith.constant 0 : i32
        %dma_wait3A_394 = tpu.memref_slice %arg4[%select_n3A, %dma_wait3A_392, %dma_wait3A_393] : memref<16x16384x128xf32, #tpu.memory_space<hbm>> -> memref<1x16384x128xf32, #tpu.memory_space<hbm>>
        %dma_wait3A_395 = tpu.memref_squeeze %dma_wait3A_394 : memref<1x16384x128xf32, #tpu.memory_space<hbm>> -> memref<16384x128xf32, #tpu.memory_space<hbm>>
        %dma_wait3A_396 = arith.constant 0 : i32
        %dma_wait3A_397 = arith.constant 0 : i32
        %dma_wait3A_398 = tpu.memref_slice %dma_wait3A_395[%dma_wait3A_396, %dma_wait3A_397] : memref<16384x128xf32, #tpu.memory_space<hbm>> -> memref<128x128xf32, #tpu.memory_space<hbm>>
        %dma_wait3A_399 = arith.constant 0 : i32
        %dma_wait3A_400 = arith.constant 0 : i32
        %dma_wait3A_401 = tpu.memref_slice %arg6[%dma_wait3A_380, %dma_wait3A_399, %dma_wait3A_400] : memref<4x128x128xf32, #tpu.memory_space<vmem>> -> memref<1x128x128xf32, #tpu.memory_space<vmem>>
        %dma_wait3A_402 = tpu.memref_squeeze %dma_wait3A_401 : memref<1x128x128xf32, #tpu.memory_space<vmem>> -> memref<128x128xf32, #tpu.memory_space<vmem>>
        tpu.wait_dma2 semaphore(%arg14 : memref<!tpu.dma_semaphore, #tpu.memory_space<semaphore_mem>>) src(%dma_wait3A_402 : memref<128x128xf32, #tpu.memory_space<vmem>>) dst(%dma_wait3A_398 : memref<128x128xf32, #tpu.memory_space<hbm>>)
      } else {
      }
      %add3A_265 = arith.constant 2 : i32
      %add3A_266 = arith.addi %add3A_221, %add3A_265 : i32
      %mul3A_267 = arith.constant 128 : i32
      %mul3A_268 = arith.muli %add3A_266, %mul3A_267 : i32
      %dma_start3A_269 = arith.constant 3 : i32
      %dma_start3A_270 = arith.constant 0 : i32
      %dma_start3A_271 = arith.constant 0 : i32
      %dma_start3A_272 = tpu.memref_slice %arg6[%dma_start3A_269, %dma_start3A_270, %dma_start3A_271] : memref<4x128x128xf32, #tpu.memory_space<vmem>> -> memref<1x128x128xf32, #tpu.memory_space<vmem>>
      %dma_start3A_273 = tpu.memref_squeeze %dma_start3A_272 : memref<1x128x128xf32, #tpu.memory_space<vmem>> -> memref<128x128xf32, #tpu.memory_space<vmem>>
      %dma_start3A_274 = tpu.memref_slice %arg5[%mul3A_268] : memref<8192xi32, #tpu.memory_space<vmem>> -> memref<128xi32, #tpu.memory_space<vmem>>
      %dma_start3A_275 = arith.constant 0 : i32
      %dma_start3A_276 = arith.constant 0 : i32
      %dma_start3A_277 = tpu.memref_slice %arg2[%select_n3A, %dma_start3A_275, %dma_start3A_276] : memref<16x50000x128xf32, #tpu.memory_space<hbm>> -> memref<1x50000x128xf32, #tpu.memory_space<hbm>>
      %dma_start3A_278 = tpu.memref_squeeze %dma_start3A_277 : memref<1x50000x128xf32, #tpu.memory_space<hbm>> -> memref<50000x128xf32, #tpu.memory_space<hbm>>
      %dma_start3A_279 = arith.constant 0 : i32
      %dma_start3A_280 = arith.constant 0 : i32
      %dma_start3A_281 = tpu.memref_slice %dma_start3A_278[%dma_start3A_279, %dma_start3A_280] : memref<50000x128xf32, #tpu.memory_space<hbm>> -> memref<50000x128xf32, #tpu.memory_space<hbm>>
      tpu.enqueue_indirect_dma source(%dma_start3A_281 : memref<50000x128xf32, #tpu.memory_space<hbm>>) target(%dma_start3A_273 : memref<128x128xf32, #tpu.memory_space<vmem>>) offsets(%dma_start3A_274 : memref<128xi32, #tpu.memory_space<vmem>>) semaphore(%arg10 : memref<!tpu.dma_semaphore, #tpu.memory_space<semaphore_mem>>)
      %mul3A_282 = arith.constant 4 : i32
      %mul3A_283 = arith.muli %scan3A_156, %mul3A_282 : i32
      %add3A_284 = arith.constant 2 : i32
      %add3A_285 = arith.addi %mul3A_283, %add3A_284 : i32
      %dma_wait3A_286 = arith.constant 2 : i32
      %dma_wait3A_287 = arith.constant 0 : i32
      %dma_wait3A_288 = arith.constant 0 : i32
      %dma_wait3A_289 = tpu.memref_slice %arg6[%dma_wait3A_286, %dma_wait3A_287, %dma_wait3A_288] : memref<4x128x128xf32, #tpu.memory_space<vmem>> -> memref<1x128x128xf32, #tpu.memory_space<vmem>>
      %dma_wait3A_290 = tpu.memref_squeeze %dma_wait3A_289 : memref<1x128x128xf32, #tpu.memory_space<vmem>> -> memref<128x128xf32, #tpu.memory_space<vmem>>
      %dma_wait3A_291 = arith.constant 0 : i32
      %dma_wait3A_292 = tpu.memref_slice %arg5[%dma_wait3A_291] : memref<8192xi32, #tpu.memory_space<vmem>> -> memref<128xi32, #tpu.memory_space<vmem>>
      %dma_wait3A_293 = arith.constant 0 : i32
      %dma_wait3A_294 = arith.constant 0 : i32
      %dma_wait3A_295 = tpu.memref_slice %arg2[%select_n3A, %dma_wait3A_293, %dma_wait3A_294] : memref<16x50000x128xf32, #tpu.memory_space<hbm>> -> memref<1x50000x128xf32, #tpu.memory_space<hbm>>
      %dma_wait3A_296 = tpu.memref_squeeze %dma_wait3A_295 : memref<1x50000x128xf32, #tpu.memory_space<hbm>> -> memref<50000x128xf32, #tpu.memory_space<hbm>>
      %dma_wait3A_297 = arith.constant 0 : i32
      %dma_wait3A_298 = arith.constant 0 : i32
      %dma_wait3A_299 = tpu.memref_slice %dma_wait3A_296[%dma_wait3A_297, %dma_wait3A_298] : memref<50000x128xf32, #tpu.memory_space<hbm>> -> memref<50000x128xf32, #tpu.memory_space<hbm>>
      tpu.wait_indirect_dma semaphore(%arg9 : memref<!tpu.dma_semaphore, #tpu.memory_space<semaphore_mem>>) src(%dma_wait3A_299 : memref<50000x128xf32, #tpu.memory_space<hbm>>) dst(%dma_wait3A_290 : memref<128x128xf32, #tpu.memory_space<vmem>>)
      %mul3A_300 = arith.constant 128 : i32
      %mul3A_301 = arith.muli %add3A_285, %mul3A_300 : i32
      %add3A_302 = arith.addi %mul3A_32, %mul3A_301 : i32
      %dma_start3A_303 = arith.constant 2 : i32
      %dma_start3A_304 = arith.constant 0 : i32
      %dma_start3A_305 = arith.constant 0 : i32
      %dma_start3A_306 = tpu.memref_slice %arg6[%dma_start3A_303, %dma_start3A_304, %dma_start3A_305] : memref<4x128x128xf32, #tpu.memory_space<vmem>> -> memref<1x128x128xf32, #tpu.memory_space<vmem>>
      %dma_start3A_307 = tpu.memref_squeeze %dma_start3A_306 : memref<1x128x128xf32, #tpu.memory_space<vmem>> -> memref<128x128xf32, #tpu.memory_space<vmem>>
      %dma_start3A_308 = arith.constant 0 : i32
      %dma_start3A_309 = arith.constant 0 : i32
      %dma_start3A_310 = tpu.memref_slice %arg4[%select_n3A, %dma_start3A_308, %dma_start3A_309] : memref<16x16384x128xf32, #tpu.memory_space<hbm>> -> memref<1x16384x128xf32, #tpu.memory_space<hbm>>
      %dma_start3A_311 = tpu.memref_squeeze %dma_start3A_310 : memref<1x16384x128xf32, #tpu.memory_space<hbm>> -> memref<16384x128xf32, #tpu.memory_space<hbm>>
      %dma_start3A_312 = arith.constant 0 : i32
      %dma_start3A_313 = tpu.memref_slice %dma_start3A_311[%add3A_302, %dma_start3A_312] : memref<16384x128xf32, #tpu.memory_space<hbm>> -> memref<128x128xf32, #tpu.memory_space<hbm>>
      %dma_start3A_314 = arith.constant 0 : i32
      %dma_start3A_315 = arith.constant 0 : i32
      %dma_start3A_316 = tpu.memref_slice %arg4[%select_n3A, %dma_start3A_314, %dma_start3A_315] : memref<16x16384x128xf32, #tpu.memory_space<hbm>> -> memref<1x16384x128xf32, #tpu.memory_space<hbm>>
      %dma_start3A_317 = tpu.memref_squeeze %dma_start3A_316 : memref<1x16384x128xf32, #tpu.memory_space<hbm>> -> memref<16384x128xf32, #tpu.memory_space<hbm>>
      %dma_start3A_318 = arith.constant 0 : i32
      %dma_start3A_319 = tpu.memref_slice %dma_start3A_317[%add3A_302, %dma_start3A_318] : memref<16384x128xf32, #tpu.memory_space<hbm>> -> memref<128x128xf32, #tpu.memory_space<hbm>>
      %dma_start3A_320 = arith.constant 0 : i32
      %dma_start3A_321 = arith.constant 0 : i32
      %dma_start3A_322 = tpu.memref_slice %arg6[%dma_start3A_303, %dma_start3A_320, %dma_start3A_321] : memref<4x128x128xf32, #tpu.memory_space<vmem>> -> memref<1x128x128xf32, #tpu.memory_space<vmem>>
      %dma_start3A_323 = tpu.memref_squeeze %dma_start3A_322 : memref<1x128x128xf32, #tpu.memory_space<vmem>> -> memref<128x128xf32, #tpu.memory_space<vmem>>
      tpu.enqueue_dma source(%dma_start3A_323 : memref<128x128xf32, #tpu.memory_space<vmem>>) target(%dma_start3A_319 : memref<128x128xf32, #tpu.memory_space<hbm>>) target_semaphore(%arg13 : memref<!tpu.dma_semaphore, #tpu.memory_space<semaphore_mem>>)
      %add3A_324 = arith.constant 2 : i32
      %add3A_325 = arith.addi %add3A_285, %add3A_324 : i32
      %lt3A_326 = arith.constant 64 : i32
      %lt3A_327 = arith.cmpi slt, %add3A_325, %lt3A_326 : i32
      %convert_element_type3A_328 = arith.extui %lt3A_327 : i1 to i32
      %cond3A_329 = arith.constant 0 : i32
      %cond3A_330 = arith.cmpi ne, %convert_element_type3A_328, %cond3A_329 : i32
      scf.if %cond3A_330 {
        %dma_wait3A_380 = arith.constant 0 : i32
        %dma_wait3A_381 = arith.constant 0 : i32
        %dma_wait3A_382 = arith.constant 0 : i32
        %dma_wait3A_383 = tpu.memref_slice %arg6[%dma_wait3A_380, %dma_wait3A_381, %dma_wait3A_382] : memref<4x128x128xf32, #tpu.memory_space<vmem>> -> memref<1x128x128xf32, #tpu.memory_space<vmem>>
        %dma_wait3A_384 = tpu.memref_squeeze %dma_wait3A_383 : memref<1x128x128xf32, #tpu.memory_space<vmem>> -> memref<128x128xf32, #tpu.memory_space<vmem>>
        %dma_wait3A_385 = arith.constant 0 : i32
        %dma_wait3A_386 = arith.constant 0 : i32
        %dma_wait3A_387 = tpu.memref_slice %arg4[%select_n3A, %dma_wait3A_385, %dma_wait3A_386] : memref<16x16384x128xf32, #tpu.memory_space<hbm>> -> memref<1x16384x128xf32, #tpu.memory_space<hbm>>
        %dma_wait3A_388 = tpu.memref_squeeze %dma_wait3A_387 : memref<1x16384x128xf32, #tpu.memory_space<hbm>> -> memref<16384x128xf32, #tpu.memory_space<hbm>>
        %dma_wait3A_389 = arith.constant 0 : i32
        %dma_wait3A_390 = arith.constant 0 : i32
        %dma_wait3A_391 = tpu.memref_slice %dma_wait3A_388[%dma_wait3A_389, %dma_wait3A_390] : memref<16384x128xf32, #tpu.memory_space<hbm>> -> memref<128x128xf32, #tpu.memory_space<hbm>>
        %dma_wait3A_392 = arith.constant 0 : i32
        %dma_wait3A_393 = arith.constant 0 : i32
        %dma_wait3A_394 = tpu.memref_slice %arg4[%select_n3A, %dma_wait3A_392, %dma_wait3A_393] : memref<16x16384x128xf32, #tpu.memory_space<hbm>> -> memref<1x16384x128xf32, #tpu.memory_space<hbm>>
        %dma_wait3A_395 = tpu.memref_squeeze %dma_wait3A_394 : memref<1x16384x128xf32, #tpu.memory_space<hbm>> -> memref<16384x128xf32, #tpu.memory_space<hbm>>
        %dma_wait3A_396 = arith.constant 0 : i32
        %dma_wait3A_397 = arith.constant 0 : i32
        %dma_wait3A_398 = tpu.memref_slice %dma_wait3A_395[%dma_wait3A_396, %dma_wait3A_397] : memref<16384x128xf32, #tpu.memory_space<hbm>> -> memref<128x128xf32, #tpu.memory_space<hbm>>
        %dma_wait3A_399 = arith.constant 0 : i32
        %dma_wait3A_400 = arith.constant 0 : i32
        %dma_wait3A_401 = tpu.memref_slice %arg6[%dma_wait3A_380, %dma_wait3A_399, %dma_wait3A_400] : memref<4x128x128xf32, #tpu.memory_space<vmem>> -> memref<1x128x128xf32, #tpu.memory_space<vmem>>
        %dma_wait3A_402 = tpu.memref_squeeze %dma_wait3A_401 : memref<1x128x128xf32, #tpu.memory_space<vmem>> -> memref<128x128xf32, #tpu.memory_space<vmem>>
        tpu.wait_dma2 semaphore(%arg11 : memref<!tpu.dma_semaphore, #tpu.memory_space<semaphore_mem>>) src(%dma_wait3A_402 : memref<128x128xf32, #tpu.memory_space<vmem>>) dst(%dma_wait3A_398 : memref<128x128xf32, #tpu.memory_space<hbm>>)
        %add3A_403 = arith.constant 2 : i32
        %add3A_404 = arith.addi %add3A_285, %add3A_403 : i32
        %mul3A_405 = arith.constant 128 : i32
        %mul3A_406 = arith.muli %add3A_404, %mul3A_405 : i32
        %dma_start3A_407 = arith.constant 0 : i32
        %dma_start3A_408 = arith.constant 0 : i32
        %dma_start3A_409 = arith.constant 0 : i32
        %dma_start3A_410 = tpu.memref_slice %arg6[%dma_start3A_407, %dma_start3A_408, %dma_start3A_409] : memref<4x128x128xf32, #tpu.memory_space<vmem>> -> memref<1x128x128xf32, #tpu.memory_space<vmem>>
        %dma_start3A_411 = tpu.memref_squeeze %dma_start3A_410 : memref<1x128x128xf32, #tpu.memory_space<vmem>> -> memref<128x128xf32, #tpu.memory_space<vmem>>
        %dma_start3A_412 = tpu.memref_slice %arg5[%mul3A_406] : memref<8192xi32, #tpu.memory_space<vmem>> -> memref<128xi32, #tpu.memory_space<vmem>>
        %dma_start3A_413 = arith.constant 0 : i32
        %dma_start3A_414 = arith.constant 0 : i32
        %dma_start3A_415 = tpu.memref_slice %arg2[%select_n3A, %dma_start3A_413, %dma_start3A_414] : memref<16x50000x128xf32, #tpu.memory_space<hbm>> -> memref<1x50000x128xf32, #tpu.memory_space<hbm>>
        %dma_start3A_416 = tpu.memref_squeeze %dma_start3A_415 : memref<1x50000x128xf32, #tpu.memory_space<hbm>> -> memref<50000x128xf32, #tpu.memory_space<hbm>>
        %dma_start3A_417 = arith.constant 0 : i32
        %dma_start3A_418 = arith.constant 0 : i32
        %dma_start3A_419 = tpu.memref_slice %dma_start3A_416[%dma_start3A_417, %dma_start3A_418] : memref<50000x128xf32, #tpu.memory_space<hbm>> -> memref<50000x128xf32, #tpu.memory_space<hbm>>
        tpu.enqueue_indirect_dma source(%dma_start3A_419 : memref<50000x128xf32, #tpu.memory_space<hbm>>) target(%dma_start3A_411 : memref<128x128xf32, #tpu.memory_space<vmem>>) offsets(%dma_start3A_412 : memref<128xi32, #tpu.memory_space<vmem>>) semaphore(%arg7 : memref<!tpu.dma_semaphore, #tpu.memory_space<semaphore_mem>>)
      } else {
      }
      %mul3A_331 = arith.constant 4 : i32
      %mul3A_332 = arith.muli %scan3A_156, %mul3A_331 : i32
      %add3A_333 = arith.constant 3 : i32
      %add3A_334 = arith.addi %mul3A_332, %add3A_333 : i32
      %dma_wait3A_335 = arith.constant 3 : i32
      %dma_wait3A_336 = arith.constant 0 : i32
      %dma_wait3A_337 = arith.constant 0 : i32
      %dma_wait3A_338 = tpu.memref_slice %arg6[%dma_wait3A_335, %dma_wait3A_336, %dma_wait3A_337] : memref<4x128x128xf32, #tpu.memory_space<vmem>> -> memref<1x128x128xf32, #tpu.memory_space<vmem>>
      %dma_wait3A_339 = tpu.memref_squeeze %dma_wait3A_338 : memref<1x128x128xf32, #tpu.memory_space<vmem>> -> memref<128x128xf32, #tpu.memory_space<vmem>>
      %dma_wait3A_340 = arith.constant 0 : i32
      %dma_wait3A_341 = tpu.memref_slice %arg5[%dma_wait3A_340] : memref<8192xi32, #tpu.memory_space<vmem>> -> memref<128xi32, #tpu.memory_space<vmem>>
      %dma_wait3A_342 = arith.constant 0 : i32
      %dma_wait3A_343 = arith.constant 0 : i32
      %dma_wait3A_344 = tpu.memref_slice %arg2[%select_n3A, %dma_wait3A_342, %dma_wait3A_343] : memref<16x50000x128xf32, #tpu.memory_space<hbm>> -> memref<1x50000x128xf32, #tpu.memory_space<hbm>>
      %dma_wait3A_345 = tpu.memref_squeeze %dma_wait3A_344 : memref<1x50000x128xf32, #tpu.memory_space<hbm>> -> memref<50000x128xf32, #tpu.memory_space<hbm>>
      %dma_wait3A_346 = arith.constant 0 : i32
      %dma_wait3A_347 = arith.constant 0 : i32
      %dma_wait3A_348 = tpu.memref_slice %dma_wait3A_345[%dma_wait3A_346, %dma_wait3A_347] : memref<50000x128xf32, #tpu.memory_space<hbm>> -> memref<50000x128xf32, #tpu.memory_space<hbm>>
      tpu.wait_indirect_dma semaphore(%arg10 : memref<!tpu.dma_semaphore, #tpu.memory_space<semaphore_mem>>) src(%dma_wait3A_348 : memref<50000x128xf32, #tpu.memory_space<hbm>>) dst(%dma_wait3A_339 : memref<128x128xf32, #tpu.memory_space<vmem>>)
      %mul3A_349 = arith.constant 128 : i32
      %mul3A_350 = arith.muli %add3A_334, %mul3A_349 : i32
      %add3A_351 = arith.addi %mul3A_32, %mul3A_350 : i32
      %dma_start3A_352 = arith.constant 3 : i32
      %dma_start3A_353 = arith.constant 0 : i32
      %dma_start3A_354 = arith.constant 0 : i32
      %dma_start3A_355 = tpu.memref_slice %arg6[%dma_start3A_352, %dma_start3A_353, %dma_start3A_354] : memref<4x128x128xf32, #tpu.memory_space<vmem>> -> memref<1x128x128xf32, #tpu.memory_space<vmem>>
      %dma_start3A_356 = tpu.memref_squeeze %dma_start3A_355 : memref<1x128x128xf32, #tpu.memory_space<vmem>> -> memref<128x128xf32, #tpu.memory_space<vmem>>
      %dma_start3A_357 = arith.constant 0 : i32
      %dma_start3A_358 = arith.constant 0 : i32
      %dma_start3A_359 = tpu.memref_slice %arg4[%select_n3A, %dma_start3A_357, %dma_start3A_358] : memref<16x16384x128xf32, #tpu.memory_space<hbm>> -> memref<1x16384x128xf32, #tpu.memory_space<hbm>>
      %dma_start3A_360 = tpu.memref_squeeze %dma_start3A_359 : memref<1x16384x128xf32, #tpu.memory_space<hbm>> -> memref<16384x128xf32, #tpu.memory_space<hbm>>
      %dma_start3A_361 = arith.constant 0 : i32
      %dma_start3A_362 = tpu.memref_slice %dma_start3A_360[%add3A_351, %dma_start3A_361] : memref<16384x128xf32, #tpu.memory_space<hbm>> -> memref<128x128xf32, #tpu.memory_space<hbm>>
      %dma_start3A_363 = arith.constant 0 : i32
      %dma_start3A_364 = arith.constant 0 : i32
      %dma_start3A_365 = tpu.memref_slice %arg4[%select_n3A, %dma_start3A_363, %dma_start3A_364] : memref<16x16384x128xf32, #tpu.memory_space<hbm>> -> memref<1x16384x128xf32, #tpu.memory_space<hbm>>
      %dma_start3A_366 = tpu.memref_squeeze %dma_start3A_365 : memref<1x16384x128xf32, #tpu.memory_space<hbm>> -> memref<16384x128xf32, #tpu.memory_space<hbm>>
      %dma_start3A_367 = arith.constant 0 : i32
      %dma_start3A_368 = tpu.memref_slice %dma_start3A_366[%add3A_351, %dma_start3A_367] : memref<16384x128xf32, #tpu.memory_space<hbm>> -> memref<128x128xf32, #tpu.memory_space<hbm>>
      %dma_start3A_369 = arith.constant 0 : i32
      %dma_start3A_370 = arith.constant 0 : i32
      %dma_start3A_371 = tpu.memref_slice %arg6[%dma_start3A_352, %dma_start3A_369, %dma_start3A_370] : memref<4x128x128xf32, #tpu.memory_space<vmem>> -> memref<1x128x128xf32, #tpu.memory_space<vmem>>
      %dma_start3A_372 = tpu.memref_squeeze %dma_start3A_371 : memref<1x128x128xf32, #tpu.memory_space<vmem>> -> memref<128x128xf32, #tpu.memory_space<vmem>>
      tpu.enqueue_dma source(%dma_start3A_372 : memref<128x128xf32, #tpu.memory_space<vmem>>) target(%dma_start3A_368 : memref<128x128xf32, #tpu.memory_space<hbm>>) target_semaphore(%arg14 : memref<!tpu.dma_semaphore, #tpu.memory_space<semaphore_mem>>)
      %add3A_373 = arith.constant 2 : i32
      %add3A_374 = arith.addi %add3A_334, %add3A_373 : i32
      %lt3A_375 = arith.constant 64 : i32
      %lt3A_376 = arith.cmpi slt, %add3A_374, %lt3A_375 : i32
      %convert_element_type3A_377 = arith.extui %lt3A_376 : i1 to i32
      %cond3A_378 = arith.constant 0 : i32
      %cond3A_379 = arith.cmpi ne, %convert_element_type3A_377, %cond3A_378 : i32
      scf.if %cond3A_379 {
        %dma_wait3A_380 = arith.constant 1 : i32
        %dma_wait3A_381 = arith.constant 0 : i32
        %dma_wait3A_382 = arith.constant 0 : i32
        %dma_wait3A_383 = tpu.memref_slice %arg6[%dma_wait3A_380, %dma_wait3A_381, %dma_wait3A_382] : memref<4x128x128xf32, #tpu.memory_space<vmem>> -> memref<1x128x128xf32, #tpu.memory_space<vmem>>
        %dma_wait3A_384 = tpu.memref_squeeze %dma_wait3A_383 : memref<1x128x128xf32, #tpu.memory_space<vmem>> -> memref<128x128xf32, #tpu.memory_space<vmem>>
        %dma_wait3A_385 = arith.constant 0 : i32
        %dma_wait3A_386 = arith.constant 0 : i32
        %dma_wait3A_387 = tpu.memref_slice %arg4[%select_n3A, %dma_wait3A_385, %dma_wait3A_386] : memref<16x16384x128xf32, #tpu.memory_space<hbm>> -> memref<1x16384x128xf32, #tpu.memory_space<hbm>>
        %dma_wait3A_388 = tpu.memref_squeeze %dma_wait3A_387 : memref<1x16384x128xf32, #tpu.memory_space<hbm>> -> memref<16384x128xf32, #tpu.memory_space<hbm>>
        %dma_wait3A_389 = arith.constant 0 : i32
        %dma_wait3A_390 = arith.constant 0 : i32
        %dma_wait3A_391 = tpu.memref_slice %dma_wait3A_388[%dma_wait3A_389, %dma_wait3A_390] : memref<16384x128xf32, #tpu.memory_space<hbm>> -> memref<128x128xf32, #tpu.memory_space<hbm>>
        %dma_wait3A_392 = arith.constant 0 : i32
        %dma_wait3A_393 = arith.constant 0 : i32
        %dma_wait3A_394 = tpu.memref_slice %arg4[%select_n3A, %dma_wait3A_392, %dma_wait3A_393] : memref<16x16384x128xf32, #tpu.memory_space<hbm>> -> memref<1x16384x128xf32, #tpu.memory_space<hbm>>
        %dma_wait3A_395 = tpu.memref_squeeze %dma_wait3A_394 : memref<1x16384x128xf32, #tpu.memory_space<hbm>> -> memref<16384x128xf32, #tpu.memory_space<hbm>>
        %dma_wait3A_396 = arith.constant 0 : i32
        %dma_wait3A_397 = arith.constant 0 : i32
        %dma_wait3A_398 = tpu.memref_slice %dma_wait3A_395[%dma_wait3A_396, %dma_wait3A_397] : memref<16384x128xf32, #tpu.memory_space<hbm>> -> memref<128x128xf32, #tpu.memory_space<hbm>>
        %dma_wait3A_399 = arith.constant 0 : i32
        %dma_wait3A_400 = arith.constant 0 : i32
        %dma_wait3A_401 = tpu.memref_slice %arg6[%dma_wait3A_380, %dma_wait3A_399, %dma_wait3A_400] : memref<4x128x128xf32, #tpu.memory_space<vmem>> -> memref<1x128x128xf32, #tpu.memory_space<vmem>>
        %dma_wait3A_402 = tpu.memref_squeeze %dma_wait3A_401 : memref<1x128x128xf32, #tpu.memory_space<vmem>> -> memref<128x128xf32, #tpu.memory_space<vmem>>
        tpu.wait_dma2 semaphore(%arg12 : memref<!tpu.dma_semaphore, #tpu.memory_space<semaphore_mem>>) src(%dma_wait3A_402 : memref<128x128xf32, #tpu.memory_space<vmem>>) dst(%dma_wait3A_398 : memref<128x128xf32, #tpu.memory_space<hbm>>)
        %add3A_403 = arith.constant 2 : i32
        %add3A_404 = arith.addi %add3A_334, %add3A_403 : i32
        %mul3A_405 = arith.constant 128 : i32
        %mul3A_406 = arith.muli %add3A_404, %mul3A_405 : i32
        %dma_start3A_407 = arith.constant 1 : i32
        %dma_start3A_408 = arith.constant 0 : i32
        %dma_start3A_409 = arith.constant 0 : i32
        %dma_start3A_410 = tpu.memref_slice %arg6[%dma_start3A_407, %dma_start3A_408, %dma_start3A_409] : memref<4x128x128xf32, #tpu.memory_space<vmem>> -> memref<1x128x128xf32, #tpu.memory_space<vmem>>
        %dma_start3A_411 = tpu.memref_squeeze %dma_start3A_410 : memref<1x128x128xf32, #tpu.memory_space<vmem>> -> memref<128x128xf32, #tpu.memory_space<vmem>>
        %dma_start3A_412 = tpu.memref_slice %arg5[%mul3A_406] : memref<8192xi32, #tpu.memory_space<vmem>> -> memref<128xi32, #tpu.memory_space<vmem>>
        %dma_start3A_413 = arith.constant 0 : i32
        %dma_start3A_414 = arith.constant 0 : i32
        %dma_start3A_415 = tpu.memref_slice %arg2[%select_n3A, %dma_start3A_413, %dma_start3A_414] : memref<16x50000x128xf32, #tpu.memory_space<hbm>> -> memref<1x50000x128xf32, #tpu.memory_space<hbm>>
        %dma_start3A_416 = tpu.memref_squeeze %dma_start3A_415 : memref<1x50000x128xf32, #tpu.memory_space<hbm>> -> memref<50000x128xf32, #tpu.memory_space<hbm>>
        %dma_start3A_417 = arith.constant 0 : i32
        %dma_start3A_418 = arith.constant 0 : i32
        %dma_start3A_419 = tpu.memref_slice %dma_start3A_416[%dma_start3A_417, %dma_start3A_418] : memref<50000x128xf32, #tpu.memory_space<hbm>> -> memref<50000x128xf32, #tpu.memory_space<hbm>>
        tpu.enqueue_indirect_dma source(%dma_start3A_419 : memref<50000x128xf32, #tpu.memory_space<hbm>>) target(%dma_start3A_411 : memref<128x128xf32, #tpu.memory_space<vmem>>) offsets(%dma_start3A_412 : memref<128xi32, #tpu.memory_space<vmem>>) semaphore(%arg8 : memref<!tpu.dma_semaphore, #tpu.memory_space<semaphore_mem>>)
      } else {
      }
    }
    %scan3A_64 = arith.constant 16 : i32
    %dma_wait3A = arith.constant 0 : i32
    %dma_wait3A_65 = arith.constant 0 : i32
    %dma_wait3A_66 = arith.constant 0 : i32
    %dma_wait3A_67 = tpu.memref_slice %arg6[%dma_wait3A, %dma_wait3A_65, %dma_wait3A_66] : memref<4x128x128xf32, #tpu.memory_space<vmem>> -> memref<1x128x128xf32, #tpu.memory_space<vmem>>
    %dma_wait3A_68 = tpu.memref_squeeze %dma_wait3A_67 : memref<1x128x128xf32, #tpu.memory_space<vmem>> -> memref<128x128xf32, #tpu.memory_space<vmem>>
    %dma_wait3A_69 = arith.constant 0 : i32
    %dma_wait3A_70 = arith.constant 0 : i32
    %dma_wait3A_71 = tpu.memref_slice %arg4[%select_n3A, %dma_wait3A_69, %dma_wait3A_70] : memref<16x16384x128xf32, #tpu.memory_space<hbm>> -> memref<1x16384x128xf32, #tpu.memory_space<hbm>>
    %dma_wait3A_72 = tpu.memref_squeeze %dma_wait3A_71 : memref<1x16384x128xf32, #tpu.memory_space<hbm>> -> memref<16384x128xf32, #tpu.memory_space<hbm>>
    %dma_wait3A_73 = arith.constant 0 : i32
    %dma_wait3A_74 = arith.constant 0 : i32
    %dma_wait3A_75 = tpu.memref_slice %dma_wait3A_72[%dma_wait3A_73, %dma_wait3A_74] : memref<16384x128xf32, #tpu.memory_space<hbm>> -> memref<128x128xf32, #tpu.memory_space<hbm>>
    %dma_wait3A_76 = arith.constant 0 : i32
    %dma_wait3A_77 = arith.constant 0 : i32
    %dma_wait3A_78 = tpu.memref_slice %arg4[%select_n3A, %dma_wait3A_76, %dma_wait3A_77] : memref<16x16384x128xf32, #tpu.memory_space<hbm>> -> memref<1x16384x128xf32, #tpu.memory_space<hbm>>
    %dma_wait3A_79 = tpu.memref_squeeze %dma_wait3A_78 : memref<1x16384x128xf32, #tpu.memory_space<hbm>> -> memref<16384x128xf32, #tpu.memory_space<hbm>>
    %dma_wait3A_80 = arith.constant 0 : i32
    %dma_wait3A_81 = arith.constant 0 : i32
    %dma_wait3A_82 = tpu.memref_slice %dma_wait3A_79[%dma_wait3A_80, %dma_wait3A_81] : memref<16384x128xf32, #tpu.memory_space<hbm>> -> memref<128x128xf32, #tpu.memory_space<hbm>>
    %dma_wait3A_83 = arith.constant 0 : i32
    %dma_wait3A_84 = arith.constant 0 : i32
    %dma_wait3A_85 = tpu.memref_slice %arg6[%dma_wait3A, %dma_wait3A_83, %dma_wait3A_84] : memref<4x128x128xf32, #tpu.memory_space<vmem>> -> memref<1x128x128xf32, #tpu.memory_space<vmem>>
    %dma_wait3A_86 = tpu.memref_squeeze %dma_wait3A_85 : memref<1x128x128xf32, #tpu.memory_space<vmem>> -> memref<128x128xf32, #tpu.memory_space<vmem>>
    tpu.wait_dma2 semaphore(%arg11 : memref<!tpu.dma_semaphore, #tpu.memory_space<semaphore_mem>>) src(%dma_wait3A_86 : memref<128x128xf32, #tpu.memory_space<vmem>>) dst(%dma_wait3A_82 : memref<128x128xf32, #tpu.memory_space<hbm>>)
    %dma_wait3A_87 = arith.constant 1 : i32
    %dma_wait3A_88 = arith.constant 0 : i32
    %dma_wait3A_89 = arith.constant 0 : i32
    %dma_wait3A_90 = tpu.memref_slice %arg6[%dma_wait3A_87, %dma_wait3A_88, %dma_wait3A_89] : memref<4x128x128xf32, #tpu.memory_space<vmem>> -> memref<1x128x128xf32, #tpu.memory_space<vmem>>
    %dma_wait3A_91 = tpu.memref_squeeze %dma_wait3A_90 : memref<1x128x128xf32, #tpu.memory_space<vmem>> -> memref<128x128xf32, #tpu.memory_space<vmem>>
    %dma_wait3A_92 = arith.constant 0 : i32
    %dma_wait3A_93 = arith.constant 0 : i32
    %dma_wait3A_94 = tpu.memref_slice %arg4[%select_n3A, %dma_wait3A_92, %dma_wait3A_93] : memref<16x16384x128xf32, #tpu.memory_space<hbm>> -> memref<1x16384x128xf32, #tpu.memory_space<hbm>>
    %dma_wait3A_95 = tpu.memref_squeeze %dma_wait3A_94 : memref<1x16384x128xf32, #tpu.memory_space<hbm>> -> memref<16384x128xf32, #tpu.memory_space<hbm>>
    %dma_wait3A_96 = arith.constant 0 : i32
    %dma_wait3A_97 = arith.constant 0 : i32
    %dma_wait3A_98 = tpu.memref_slice %dma_wait3A_95[%dma_wait3A_96, %dma_wait3A_97] : memref<16384x128xf32, #tpu.memory_space<hbm>> -> memref<128x128xf32, #tpu.memory_space<hbm>>
    %dma_wait3A_99 = arith.constant 0 : i32
    %dma_wait3A_100 = arith.constant 0 : i32
    %dma_wait3A_101 = tpu.memref_slice %arg4[%select_n3A, %dma_wait3A_99, %dma_wait3A_100] : memref<16x16384x128xf32, #tpu.memory_space<hbm>> -> memref<1x16384x128xf32, #tpu.memory_space<hbm>>
    %dma_wait3A_102 = tpu.memref_squeeze %dma_wait3A_101 : memref<1x16384x128xf32, #tpu.memory_space<hbm>> -> memref<16384x128xf32, #tpu.memory_space<hbm>>
    %dma_wait3A_103 = arith.constant 0 : i32
    %dma_wait3A_104 = arith.constant 0 : i32
    %dma_wait3A_105 = tpu.memref_slice %dma_wait3A_102[%dma_wait3A_103, %dma_wait3A_104] : memref<16384x128xf32, #tpu.memory_space<hbm>> -> memref<128x128xf32, #tpu.memory_space<hbm>>
    %dma_wait3A_106 = arith.constant 0 : i32
    %dma_wait3A_107 = arith.constant 0 : i32
    %dma_wait3A_108 = tpu.memref_slice %arg6[%dma_wait3A_87, %dma_wait3A_106, %dma_wait3A_107] : memref<4x128x128xf32, #tpu.memory_space<vmem>> -> memref<1x128x128xf32, #tpu.memory_space<vmem>>
    %dma_wait3A_109 = tpu.memref_squeeze %dma_wait3A_108 : memref<1x128x128xf32, #tpu.memory_space<vmem>> -> memref<128x128xf32, #tpu.memory_space<vmem>>
    tpu.wait_dma2 semaphore(%arg12 : memref<!tpu.dma_semaphore, #tpu.memory_space<semaphore_mem>>) src(%dma_wait3A_109 : memref<128x128xf32, #tpu.memory_space<vmem>>) dst(%dma_wait3A_105 : memref<128x128xf32, #tpu.memory_space<hbm>>)
    %dma_wait3A_110 = arith.constant 2 : i32
    %dma_wait3A_111 = arith.constant 0 : i32
    %dma_wait3A_112 = arith.constant 0 : i32
    %dma_wait3A_113 = tpu.memref_slice %arg6[%dma_wait3A_110, %dma_wait3A_111, %dma_wait3A_112] : memref<4x128x128xf32, #tpu.memory_space<vmem>> -> memref<1x128x128xf32, #tpu.memory_space<vmem>>
    %dma_wait3A_114 = tpu.memref_squeeze %dma_wait3A_113 : memref<1x128x128xf32, #tpu.memory_space<vmem>> -> memref<128x128xf32, #tpu.memory_space<vmem>>
    %dma_wait3A_115 = arith.constant 0 : i32
    %dma_wait3A_116 = arith.constant 0 : i32
    %dma_wait3A_117 = tpu.memref_slice %arg4[%select_n3A, %dma_wait3A_115, %dma_wait3A_116] : memref<16x16384x128xf32, #tpu.memory_space<hbm>> -> memref<1x16384x128xf32, #tpu.memory_space<hbm>>
    %dma_wait3A_118 = tpu.memref_squeeze %dma_wait3A_117 : memref<1x16384x128xf32, #tpu.memory_space<hbm>> -> memref<16384x128xf32, #tpu.memory_space<hbm>>
    %dma_wait3A_119 = arith.constant 0 : i32
    %dma_wait3A_120 = arith.constant 0 : i32
    %dma_wait3A_121 = tpu.memref_slice %dma_wait3A_118[%dma_wait3A_119, %dma_wait3A_120] : memref<16384x128xf32, #tpu.memory_space<hbm>> -> memref<128x128xf32, #tpu.memory_space<hbm>>
    %dma_wait3A_122 = arith.constant 0 : i32
    %dma_wait3A_123 = arith.constant 0 : i32
    %dma_wait3A_124 = tpu.memref_slice %arg4[%select_n3A, %dma_wait3A_122, %dma_wait3A_123] : memref<16x16384x128xf32, #tpu.memory_space<hbm>> -> memref<1x16384x128xf32, #tpu.memory_space<hbm>>
    %dma_wait3A_125 = tpu.memref_squeeze %dma_wait3A_124 : memref<1x16384x128xf32, #tpu.memory_space<hbm>> -> memref<16384x128xf32, #tpu.memory_space<hbm>>
    %dma_wait3A_126 = arith.constant 0 : i32
    %dma_wait3A_127 = arith.constant 0 : i32
    %dma_wait3A_128 = tpu.memref_slice %dma_wait3A_125[%dma_wait3A_126, %dma_wait3A_127] : memref<16384x128xf32, #tpu.memory_space<hbm>> -> memref<128x128xf32, #tpu.memory_space<hbm>>
    %dma_wait3A_129 = arith.constant 0 : i32
    %dma_wait3A_130 = arith.constant 0 : i32
    %dma_wait3A_131 = tpu.memref_slice %arg6[%dma_wait3A_110, %dma_wait3A_129, %dma_wait3A_130] : memref<4x128x128xf32, #tpu.memory_space<vmem>> -> memref<1x128x128xf32, #tpu.memory_space<vmem>>
    %dma_wait3A_132 = tpu.memref_squeeze %dma_wait3A_131 : memref<1x128x128xf32, #tpu.memory_space<vmem>> -> memref<128x128xf32, #tpu.memory_space<vmem>>
    tpu.wait_dma2 semaphore(%arg13 : memref<!tpu.dma_semaphore, #tpu.memory_space<semaphore_mem>>) src(%dma_wait3A_132 : memref<128x128xf32, #tpu.memory_space<vmem>>) dst(%dma_wait3A_128 : memref<128x128xf32, #tpu.memory_space<hbm>>)
    %dma_wait3A_133 = arith.constant 3 : i32
    %dma_wait3A_134 = arith.constant 0 : i32
    %dma_wait3A_135 = arith.constant 0 : i32
    %dma_wait3A_136 = tpu.memref_slice %arg6[%dma_wait3A_133, %dma_wait3A_134, %dma_wait3A_135] : memref<4x128x128xf32, #tpu.memory_space<vmem>> -> memref<1x128x128xf32, #tpu.memory_space<vmem>>
    %dma_wait3A_137 = tpu.memref_squeeze %dma_wait3A_136 : memref<1x128x128xf32, #tpu.memory_space<vmem>> -> memref<128x128xf32, #tpu.memory_space<vmem>>
    %dma_wait3A_138 = arith.constant 0 : i32
    %dma_wait3A_139 = arith.constant 0 : i32
    %dma_wait3A_140 = tpu.memref_slice %arg4[%select_n3A, %dma_wait3A_138, %dma_wait3A_139] : memref<16x16384x128xf32, #tpu.memory_space<hbm>> -> memref<1x16384x128xf32, #tpu.memory_space<hbm>>
    %dma_wait3A_141 = tpu.memref_squeeze %dma_wait3A_140 : memref<1x16384x128xf32, #tpu.memory_space<hbm>> -> memref<16384x128xf32, #tpu.memory_space<hbm>>
    %dma_wait3A_142 = arith.constant 0 : i32
    %dma_wait3A_143 = arith.constant 0 : i32
    %dma_wait3A_144 = tpu.memref_slice %dma_wait3A_141[%dma_wait3A_142, %dma_wait3A_143] : memref<16384x128xf32, #tpu.memory_space<hbm>> -> memref<128x128xf32, #tpu.memory_space<hbm>>
    %dma_wait3A_145 = arith.constant 0 : i32
    %dma_wait3A_146 = arith.constant 0 : i32
    %dma_wait3A_147 = tpu.memref_slice %arg4[%select_n3A, %dma_wait3A_145, %dma_wait3A_146] : memref<16x16384x128xf32, #tpu.memory_space<hbm>> -> memref<1x16384x128xf32, #tpu.memory_space<hbm>>
    %dma_wait3A_148 = tpu.memref_squeeze %dma_wait3A_147 : memref<1x16384x128xf32, #tpu.memory_space<hbm>> -> memref<16384x128xf32, #tpu.memory_space<hbm>>
    %dma_wait3A_149 = arith.constant 0 : i32
    %dma_wait3A_150 = arith.constant 0 : i32
    %dma_wait3A_151 = tpu.memref_slice %dma_wait3A_148[%dma_wait3A_149, %dma_wait3A_150] : memref<16384x128xf32, #tpu.memory_space<hbm>> -> memref<128x128xf32, #tpu.memory_space<hbm>>
    %dma_wait3A_152 = arith.constant 0 : i32
    %dma_wait3A_153 = arith.constant 0 : i32
    %dma_wait3A_154 = tpu.memref_slice %arg6[%dma_wait3A_133, %dma_wait3A_152, %dma_wait3A_153] : memref<4x128x128xf32, #tpu.memory_space<vmem>> -> memref<1x128x128xf32, #tpu.memory_space<vmem>>
    %dma_wait3A_155 = tpu.memref_squeeze %dma_wait3A_154 : memref<1x128x128xf32, #tpu.memory_space<vmem>> -> memref<128x128xf32, #tpu.memory_space<vmem>>
    tpu.wait_dma2 semaphore(%arg14 : memref<!tpu.dma_semaphore, #tpu.memory_space<semaphore_mem>>) src(%dma_wait3A_155 : memref<128x128xf32, #tpu.memory_space<vmem>>) dst(%dma_wait3A_151 : memref<128x128xf32, #tpu.memory_space<hbm>>)
    return
  }
}

</mosaic_0001>

<sc_bundles>
// kernel: kernel.3.cloned.1.call-start
scs
__scs_entry_jumppad:
0x0: {  	(pc) =	sbr.rel $0x88, $3  }
0x1: {  	(tag) =	ssettag $0x0;
	lr =	simm.s32 $0x1  }
0x2: {  	[smem:$0x3F9F] =	sst lr;
	_ =	strace $0xD0000000  }
0x3: {  	_ = 	snop  }
0x4: {  	_ = 	snop  }
0x5: {  	_ = 	snop  }
0x6: {  	_ = 	snop  }
0x7: {  	_ = 	snop  }
__scs_overlays_trampoline_lowered:
0x8: {  	[smem:$0x3FAE] =	sst s0  }
0x9: {  	[smem:$0x3FAF] =	sst s1  }
0xa: {  	[smem:$0x3FB0] =	sst s2  }
0xb: {  	[smem:$0x3FB1] =	sst s3  }
0xc: {  	[smem:$0x3FB2] =	sst s4  }
0xd: {  	[smem:$0x3FB3] =	sst s5  }
0xe: {  	[smem:$0x3FB4] =	sst s6  }
0xf: {  	[smem:$0x3FB5] =	sst s7  }
0x10: {  	[smem:$0x3FB6] =	sst s8  }
0x11: {  	[smem:$0x3FB7] =	sst s9;
	s0 =	simm.s32 @!p0 $0x0  }
0x12: {  	s1 =	sld [smem:$0x3F9D];
	s0 =	simm.s32 @p0 $0x1  }
0x13: {  	[smem:$0x3FB8] =	sst s0;
	s0 =	simm.s32 @!p1 $0x0  }
0x14: {  	s2 =	sld [smem:$0x3F9C];
	s0 =	simm.s32 @p1 $0x1  }
0x15: {  	[smem:$0x3FB9] =	sst s0;
	s0 =	simm.s32 @!p2 $0x0  }
0x16: {  	s3 =	sld [smem:$0x3FDB];
	s0 =	simm.s32 @p2 $0x1  }
0x17: {  	s4 =	simm.s32 $0x1BF5;
	[smem:$0x3FBB] =	sst s0  }
0x18: {  	s0 =	sld [smem:$0x3F9E];
	_ =	swait.ge [sflag:s4], $0x0  }
0x19: {  	s7 =	sld [smem:$0x3F9F]  }
0x1a: {  	s8 =	sadd.s32 $0xFFFFE003, lr  }
0x1b: {  	s9 =	sadd.s32 $0xFFFFFEF7, lr;
	s5 =	simm.s32 $0xFFFFFFFF;
	p2 =	slt.u32 s8, $0xFFFFF086  }
0x1c: {  	p1 =	slt.u32 s9, $0xF7A;
	s5 =	simm.s32 @!p2 $0x0  }
0x1d: {  	s5 =	simm.s32 @p1 $0x1;
	p0 =	seq.s32 s7, s2  }
0x1e: {  	s7 =	smul.u32 @!p0 $0xF7A, s2;
	p2 =	seq.s32 @!p0 s5, $0x0  }
0x1f: {  	s9 =	smul.u32 $0xF7A, s1;
	s8 =	simm.s32 @!p0 $0x1BF5;
	p2 =	por !p2, p0  }
0x20: {  	[sflag:s8] =	ssyncset.s32 @!p0 $0xFFFFF086;
	s6 =	sadd.s32 @!p0 s3, s7;
	s7 =	simm.s32 @!p0 $0x108  }
0x21: {  	s3 =	sadd.s32 s3, s9;
	s6 =	sadd.s32 @!p0 $0x88, s6;
	s7 =	simm.s32 @p2 $0x1082  }
0x22: {  	[simem:s7], [sflag:s8] =	dma.local @!p0 [hbm:s6], $0xF7A  }
0x23: {  	s9 =	sor.u32 $0xD0000000, s2;
	s6 =	simm.s32 $0x108;
	_ =	swait.ge @!p0 [sflag:s8], $0x0  }
0x24: {  	s3 =	sadd.s32 $0x88, s3;
	s6 =	simm.s32 @!p1 $0x1082;
	[sflag:s4] =	ssyncset.s32 $0xFFFFF086  }
0x25: {  	[simem:s6], [sflag:s4] =	dma.local [hbm:s3], $0xF7A  }
0x26: {  	[smem:$0x3F9F] =	sst s1;
	(tag) =	ssettag s2;
	_ =	strace s9  }
0x27: {  	s1 =	sld [smem:$0x3FAF]  }
0x28: {  	s2 =	sld [smem:$0x3FB0]  }
0x29: {  	s4 =	sld [smem:$0x3FB2]  }
0x2a: {  	p0 =	seq.s32 s5, $0x0;
	s5 =	sld [smem:$0x3FB3]  }
0x2b: {  	s6 =	sld [smem:$0x3FB4]  }
0x2c: {  	s7 =	sld [smem:$0x3FB5]  }
0x2d: {  	s3 =	simm.s32 $0x108;
	s8 =	sld [smem:$0x3FB6]  }
0x2e: {  	s3 =	simm.s32 @!p0 $0x1082;
	s9 =	sld [smem:$0x3FB7]  }
0x2f: {  	lr =	sadd.s32 s0, s3;
	s0 =	sld [smem:$0x3FAE]  }
0x30: {  	s3 =	sld [smem:$0x3FB1]  }
0x31: {  	[smem:$0x3FBA] =	sst s10  }
0x32: {  	s10 =	sld [smem:$0x3FB8];
	_ =	sdelay $0x3  }
0x33: {  	p0 =	seq.s32 s10, $0x1;
	s10 =	sld [smem:$0x3FBA];
	_ =	sdelay $0x3  }
0x34: {  	[smem:$0x3FBA] =	sst s10  }
0x35: {  	s10 =	sld [smem:$0x3FB9];
	_ =	sdelay $0x3  }
0x36: {  	p1 =	seq.s32 s10, $0x1;
	s10 =	sld [smem:$0x3FBA];
	_ =	sdelay $0x3  }
0x37: {  	[smem:$0x3FBA] =	sst s10  }
0x38: {  	s10 =	sld [smem:$0x3FBB]  }
0x39: {  	_ = 	snop;
	(pc) =	sbr.ind lr, $3  }
0x3a: {  	_ = 	snop  }
0x3b: {  	_ = 	snop  }
0x3c: {  	p2 =	seq.s32 s10, $0x1;
	s10 =	sld [smem:$0x3FBA]  }
0x3d: {  	_ =	shalt  }
0x3e: {  	_ =	shalt  }
0x3f: {  	_ =	shalt  }
0x40: {  	_ =	shalt  }
0x41: {  	_ =	shalt  }
0x42: {  	_ =	shalt  }
0x43: {  	_ =	shalt  }
0x44: {  	_ =	shalt  }
0x45: {  	_ =	shalt  }
0x46: {  	_ =	shalt  }
0x47: {  	_ =	shalt  }
0x48: {  	_ =	shalt  }
0x49: {  	_ =	shalt  }
0x4a: {  	_ =	shalt  }
0x4b: {  	_ =	shalt  }
0x4c: {  	_ =	shalt  }
0x4d: {  	_ =	shalt  }
0x4e: {  	_ =	shalt  }
0x4f: {  	_ =	shalt  }
0x50: {  	_ =	shalt  }
0x51: {  	_ =	shalt  }
0x52: {  	_ =	shalt  }
0x53: {  	_ =	shalt  }
0x54: {  	_ =	shalt  }
0x55: {  	_ =	shalt  }
0x56: {  	_ =	shalt  }
0x57: {  	_ =	shalt  }
0x58: {  	_ =	shalt  }
0x59: {  	_ =	shalt  }
0x5a: {  	_ =	shalt  }
0x5b: {  	_ =	shalt  }
0x5c: {  	_ =	shalt  }
0x5d: {  	_ =	shalt  }
0x5e: {  	_ =	shalt  }
0x5f: {  	_ =	shalt  }
0x60: {  	_ =	shalt  }
0x61: {  	_ =	shalt  }
0x62: {  	_ =	shalt  }
0x63: {  	_ =	shalt  }
0x64: {  	_ =	shalt  }
0x65: {  	_ =	shalt  }
0x66: {  	_ =	shalt  }
0x67: {  	_ =	shalt  }
0x68: {  	_ =	shalt  }
0x69: {  	_ =	shalt  }
0x6a: {  	_ =	shalt  }
0x6b: {  	_ =	shalt  }
0x6c: {  	_ =	shalt  }
0x6d: {  	_ =	shalt  }
0x6e: {  	_ =	shalt  }
0x6f: {  	_ =	shalt  }
0x70: {  	_ =	shalt  }
0x71: {  	_ =	shalt  }
0x72: {  	_ =	shalt  }
0x73: {  	_ =	shalt  }
0x74: {  	_ =	shalt  }
0x75: {  	_ =	shalt  }
0x76: {  	_ =	shalt  }
0x77: {  	_ =	shalt  }
0x78: {  	_ =	shalt  }
0x79: {  	_ =	shalt  }
0x7a: {  	_ =	shalt  }
0x7b: {  	_ =	shalt  }
0x7c: {  	_ =	shalt  }
0x7d: {  	_ =	shalt  }
0x7e: {  	_ =	shalt  }
0x7f: {  	_ =	shalt  }
0x80: {  	_ =	shalt  }
0x81: {  	_ =	shalt  }
0x82: {  	_ =	shalt  }
0x83: {  	_ =	shalt  }
0x84: {  	_ =	shalt  }
0x85: {  	_ =	shalt  }
0x86: {  	_ =	shalt  }
0x87: {  	_ =	shalt  }
.Lfunc_end0:
.L_simem_size_0:
called_computation.1_lowered:
.L_overlay_start_0:
0x88: {  	s2 =	sld [smem:$0x3FD9]  }
0x89: {  	s3 =	sld [smem:$0x3FFE];
	_ =	sdelay $0x1  }
0x8a: {  	s1 =	srdreg.scid  }
0x8b: {  	s0 =	sand.u32 $0x1, s1  }
0x8c: {  	s17 =	sshll.u32 s0, $0xA;
	s2 =	sadd.s32 s3, s2  }
0x8d: {  	s2 =	sadd.s32 s2, s17  }
0x8e: {  	[smem:$0x3FC6] =	sst s2  }
0x8f: {  	_ = 	snop  }
0x90: {  	s2 =	sld [smem:$0x3FC9]  }
0x91: {  	s18 =	sld [smem:$0x3FC8];
	(tm) =	ssettm $0x1  }
0x92: {  	s4 =	sld [smem:$0x3FFB];
	_ =	sdelay $0x3  }
0x93: {  	_ =	strace s4  }
0x94: {  	s4 =	sld [smem:$0x3FFC];
	_ =	sdelay $0x3  }
0x95: {  	_ =	strace s4  }
0x96: {  	s4 =	sld [smem:$0x3FFD];
	_ =	sdelay $0x3  }
0x97: {  	_ =	strace s4  }
0x98: {  	_ =	strace $0x8FFFFFFF  }
0x99: {  	s19 =	sld [smem:$0x3FDB];
	_ =	sdelay $0x1  }
0x9a: {  	s5 =	simm.s32 $_scs_section_size  }
0x9b: {  	s6 =	simm.s32 $_size__tile_overlayer_lowered;
	s7 =	simm.s32 $_tile_overlayer_lowered  }
0x9c: {  	s22 =	simm.s32 $0x1BFF;
	s21 =	sshll.u32 s7, $0x1;
	s4 =	sadd.s32 s5, s19  }
0x9d: {  	s8 =	simm.s32 $0x0;
	s20 =	sshll.u32 s6, $0x1;
	s6 =	sadd.s32 s21, s4  }
0x9e: {  	[timem:s8], [sflag:s22] =	dma.local [hbm:s6], s20  }
0x9f: {  	_ =	swait.ge [sflag:s22], s20  }
0xa0: {  	s5 =	ssub.s32 $0x0, s20;
	[sflag:s22] =	ssyncset.done $0x0  }
0xa1: {  	[sflag:s22] =	ssyncadd.s32 s5;
	_ =	sdelay $0x1  }
0xa2: {  	s23 =	simm.s32 $0x1B8B  }
0xa3: {  	_ =	swait.ge [sflag:s23], $0x1  }
0xa4: {  	[sflag:s23] =	ssyncset.done $0x0  }
0xa5: {  	s25 =	simm.s32 $0x1B8E;
	s24 =	sld [smem:$0x3FFE];
	[sflag:s23] =	ssyncadd.s32 $0xFFFFFFFF  }
0xa6: {  	s26 =	simm.s32 $execute0_lowered;
	[smem:$0x3FD2] =	sst s25  }
0xa7: {  	s6 =	sshll.u32 s26, $0x1;
	_ =	strace $0x80000046;
	[dreg:$0x1] =	wrdreg $0xFFFFFFFF  }
0xa8: {  	s28 =	simm.s32 $_size_execute0_lowered;
	s4 =	sadd.s32 s4, s6;
	[dreg:$0x0] =	wrdreg $0x0  }
0xa9: {  	s6 =	sshll.u32 s28, $0x1;
	[dreg:$0x2] =	wrdreg s4  }
0xaa: {  	[dreg:$0x3] =	wrdreg s6  }
0xab: {  	[dreg:$0x4] =	wrdreg $0xC0  }
0xac: {  	_ =	task [dreg:s8], $0x5FFFF  }
0xad: {  	[dreg:$0x1] =	wrdreg $0xFFFFFFFF  }
0xae: {  	[dreg:$0x0] =	wrdreg $0x60  }
0xaf: {  	[dreg:$0x2] =	wrdreg s2  }
0xb0: {  	[dreg:$0x3] =	wrdreg s18  }
0xb1: {  	[dreg:$0x4] =	wrdreg s24  }
0xb2: {  	[dreg:$0x5] =	wrdreg $0x9  }
0xb3: {  	_ =	task.clear_ibuf [dreg:s8], $0x6FFFF;
	_ =	strace $0x90000046  }
0xb4: {  	s29 =	simm.s32 $0x9;
	_ =	strace $0x80000048  }
0xb5: {  	_ =	swait.ge [sflag:s29], $0x1  }
0xb6: {  	[sflag:s29] =	ssyncadd.s32 $0xFFFFFFFF  }
0xb7: {  	_ =	strace $0x90000048  }
0xb8: {  	_ =	sfence  }
0xb9: {  	s30 =	sld [smem:$0x0];
	_ =	sdelay $0x2  }
0xba: {  	s31 =	sshll.u32 s1, $0xD;
	s1 =	sshrl.u32 s1, $0x2  }
0xbb: {  	s3 =	sand.u32 $0x4000, s31;
	s1 =	sadd.s32 s1, s30  }
0xbc: {  	s0 =	sor.u32 s3, s0;
	s1 =	sshll.u32 s1, $0x11  }
0xbd: {  	s0 =	sor.u32 s1, s0  }
0xbe: {  	s0 =	sadd.s32 $0x8F2B, s0  }
0xbf: {  	[sflag:s0] =	ssyncadd.remote.s32 $0x1  }
0xc0: {  	_ =	sfence.sel $0xFFFF  }
0xc1: {  	[dreg:$0x0] =	wrdreg $0xFFFFFFFF;
	(pc) =	sbr.abs _section_cstart, $3  }
0xc2: {  	[dreg:$0x1] =	wrdreg $0xFFFFFFFF  }
0xc3: {  	_ =	task.clear_ibuf [dreg:s8], $0x2FFFF;
	_ =	strace $0x9FFFFFFF  }
0xc4: {  	(tm) =	ssettm $0x7FFFFFFF  }
0xc5: {  	_ =	shalt  }
tec
execute0_lowered:
.L_overlay_start_1:
0x0: {  	(tag) =	ssettag $0x1  }
0x1: {  	s5 =	rddreg [dreg:$0x0]  }
0x2: {  	s0 =	srdreg.scid;
	s21 =	rddreg [dreg:$0x1]  }
0x3: {  	s6 =	stileid.u32;
	s4 =	rddreg [dreg:$0x2];
	s3 =	simm.s32 $0x1  }
0x4: {  	s2 =	simm.s32 $0x0;
	s14 =	simm.s32 $0xA000;
	s15 =	simm.s32 $0x2  }
0x5: {  	s17 =	simm.s32 $0x180;
	s18 =	simm.s32 $0xE000;
	s19 =	simm.s32 $0x3  }
0x6: {  	s28 =	simm.s32 $0x280;
	s29 =	simm.s32 $0x7;
	s30 =	simm.s32 $0x8  }
0x7: {  	s31 =	simm.s32 $0x0;
	s0 =	sand.u32 $0x1, s0;
	[smem:$0x7FF] =	sst s2  }
0x8: {  	s1 =	sor.u32 s0, s6;
	p1 =	seq.s32 s0, $0x1;
	_ =	strace $0x80000047  }
0x9: {  	s10 =	ssub.s32 $0x2, s0;
	s24 =	sshll.u32 s0, $0xD;
	p0 =	seq.s32 s1, $0x0  }
0xa: {  	s0 =	sshll.u32 s0, $0x11;
	s11 =	sshrl.u32 s10, $0x1;
	p0 =	por !p0, !p1  }
0xb: {  	s26 =	sor.u32 $0x1F800, s0;
	s16 =	sor.u32 $0x800, s0;
	p0 =	por !p0, !p0  }
0xc: {  	s20 =	sor.u32 $0x1000, s0;
	s22 =	ssub.s32 s10, s11;
	s3 =	simm.s32 @!p0 $0x0  }
0xd: {  	s10 =	simm.s32 $0x2000;
	s11 =	simm.s32 $0x6000;
	s6 =	ssub.s32 s6, s3  }
0xe: {  	s7 =	sshll.u32 s6, $0x12;
	s8 =	sshll.u32 s6, $0xE;
	s9 =	sshll.u32 s6, $0x7  }
0xf: {  	s6 =	smul.u32 $0x61A800, s6;
	s8 =	sand.u32 $0xFFFE0000, s8;
	s9 =	sand.u32 $0x380, s9  }
0x10: {  	s3 =	simm.s32 $0x1;
	s7 =	sand.u32 $0x1FFC0000, s7;
	s8 =	sor.u32 s9, s8  }
0x11: {  	s7 =	sadd.s32 s7, s4;
	s6 =	sshrl.u32 s6, $0x3;
	s9 =	simm.s32 $0x9  }
0x12: {  	s23 =	sshrl.u32 s8, $0x3;
	s5 =	sadd.s32 s5, s6;
	s25 =	sadd.s32 $0x800, s7  }
.Ltmp0:
0x13: {  	s6 =	smax.u32 s22, $0x1;
	s7 =	simm.s32 $0x80;
	(pc) =	sbr.rel .LBB2_1-.Ltmp0, $4  }
0x14: {  	s22 =	simm.s32 $0x200;
	s1 =	sadd.s32 s21, s23;
	s23 =	sor.u32 $0x1800, s0  }
0x15: {  	s12 =	sadd.s32 s25, s0;
	s16 =	sadd.s32 s16, s25;
	s20 =	sadd.s32 s20, s25  }
0x16: {  	s21 =	simm.s32 $0x5;
	s4 =	sadd.s32 s24, s1;
	s23 =	sadd.s32 s23, s25  }
0x17: {  	s24 =	sadd.s32 s25, s26;
	s25 =	simm.s32 $0x4;
	s26 =	simm.s32 $0x6  }
.LBB2_4:
0x18: {  	_ =	swait.ge [sflag:s25], $0x4000  }
0x19: {  	[sflag:s25] =	ssyncset.done $0x0  }
0x1a: {  	[sflag:s25] =	ssyncadd.s32 $0xFFFFC000  }
0x1b: {  	[hbm4b:s24+s2] =	stream.linear.scatter [tilespmem:s18], [sflag:$0x8], $0x4000, $0x38;
	[tilespmem:$0x12000] =	vst v63  }
0x1c: {  	_ =	swait.ge [sflag:s21], $0x4000  }
0x1d: {  	[sflag:s21] =	ssyncset.done $0x0  }
0x1e: {  	[sflag:s21] =	ssyncadd.s32 $0xFFFFC000  }
0x1f: {  	_ =	swait.ge [sflag:s26], $0x4000  }
0x20: {  	[sflag:s26] =	ssyncset.done $0x0  }
0x21: {  	s31 =	sadd.s32 $0x1, s31;
	[sflag:s26] =	ssyncadd.s32 $0xFFFFC000  }
0x22: {  	p0 =	sne.s32 s31, s6;
	_ =	swait.ge [sflag:s29], $0x4000  }
.Ltmp1:
0x23: {  	[sflag:s29] =	ssyncset.done $0x0;
	(pc) =	sbr.rel @!p0 .LBB2_5-.Ltmp1, $4  }
0x24: {  	[sflag:s29] =	ssyncadd.s32 $0xFFFFC000  }
0x25: {  	_ =	swait.ge [sflag:s30], $0x4000  }
0x26: {  	[sflag:s30] =	ssyncset.done $0x0  }
0x27: {  	[sflag:s30] =	ssyncadd.s32 $0xFFFFC000  }
.LBB2_1:
0x28: {  	s0 =	simm.s32 $0x400  }
0x29: {  	[tilespmem:s2], [sflag:$0x9] =	stream.strided.gather [hbm4b:s4+s7], $0x2000, s0, s7, $0x38;
	[tilespmem:$0x12000] =	vst v63  }
0x2a: {  	_ =	swait.ge [sflag:s9], $0x2000  }
0x2b: {  	[sflag:s9] =	ssyncset.done $0x0  }
0x2c: {  	[sflag:s9] =	ssyncadd.s32 $0xFFFFE000  }
0x2d: {  	[tilespmem:s10], [sflag:$0x1] =	stream.indirect.gather [hbm4b:s5+s7], $0x80, s2, s7, $0xb8;
	[tilespmem:$0x12000] =	vst v63  }
0x2e: {  	_ = 	snop  }
0x2f: {  	[tilespmem:s11], [sflag:$0x2] =	stream.indirect.gather [hbm4b:s5+s7], $0x80, s7, s7, $0xb8;
	[tilespmem:$0x12000] =	vst v63  }
0x30: {  	_ =	swait.ge [sflag:s3], $0x4000  }
0x31: {  	[sflag:s3] =	ssyncset.done $0x0  }
0x32: {  	[sflag:s3] =	ssyncadd.s32 $0xFFFFC000  }
0x33: {  	[hbm4b:s12+s2] =	stream.linear.scatter [tilespmem:s10], [sflag:$0x5], $0x4000, $0x38;
	[tilespmem:$0x12000] =	vst v63  }
0x34: {  	s13 =	simm.s32 $0x100  }
0x35: {  	[tilespmem:s14], [sflag:$0x3] =	stream.indirect.gather [hbm4b:s5+s7], $0x80, s13, s7, $0xb8;
	[tilespmem:$0x12000] =	vst v63  }
0x36: {  	_ =	swait.ge [sflag:s15], $0x4000  }
0x37: {  	[sflag:s15] =	ssyncset.done $0x0  }
0x38: {  	[sflag:s15] =	ssyncadd.s32 $0xFFFFC000  }
0x39: {  	[hbm4b:s16+s2] =	stream.linear.scatter [tilespmem:s11], [sflag:$0x6], $0x4000, $0x38;
	[tilespmem:$0x12000] =	vst v63  }
0x3a: {  	_ = 	snop  }
0x3b: {  	[tilespmem:s18], [sflag:$0x4] =	stream.indirect.gather [hbm4b:s5+s7], $0x80, s17, s7, $0xb8;
	[tilespmem:$0x12000] =	vst v63  }
0x3c: {  	_ =	swait.ge [sflag:s19], $0x4000  }
0x3d: {  	[sflag:s19] =	ssyncset.done $0x0  }
0x3e: {  	[sflag:s19] =	ssyncadd.s32 $0xFFFFC000  }
0x3f: {  	[hbm4b:s20+s2] =	stream.linear.scatter [tilespmem:s14], [sflag:$0x7], $0x4000, $0x38;
	[tilespmem:$0x12000] =	vst v63  }
0x40: {  	_ =	swait.ge [sflag:s21], $0x4000  }
0x41: {  	[sflag:s21] =	ssyncset.done $0x0  }
0x42: {  	[sflag:s21] =	ssyncadd.s32 $0xFFFFC000  }
0x43: {  	[tilespmem:s10], [sflag:$0x1] =	stream.indirect.gather [hbm4b:s5+s7], $0x80, s22, s7, $0xb8;
	[tilespmem:$0x12000] =	vst v63  }
0x44: {  	_ =	swait.ge [sflag:s25], $0x4000  }
0x45: {  	[sflag:s25] =	ssyncset.done $0x0  }
0x46: {  	[sflag:s25] =	ssyncadd.s32 $0xFFFFC000  }
0x47: {  	[hbm4b:s23+s2] =	stream.linear.scatter [tilespmem:s18], [sflag:$0x8], $0x4000, $0x38;
	[tilespmem:$0x12000] =	vst v63  }
0x48: {  	_ =	swait.ge [sflag:s26], $0x4000  }
0x49: {  	[sflag:s26] =	ssyncset.done $0x0  }
0x4a: {  	s1 =	simm.s32 $0x480;
	s0 =	simm.s32 $0x0;
	[sflag:s26] =	ssyncadd.s32 $0xFFFFC000  }
0x4b: {  	[tilespmem:s11], [sflag:$0x2] =	stream.indirect.gather [hbm4b:s5+s7], $0x80, s28, s7, $0xb8;
	[tilespmem:$0x12000] =	vst v63  }
.LBB2_2:
0x4c: {  	_ =	swait.ge [sflag:s3], $0x4000  }
0x4d: {  	s8 =	sadd.s32 s0, s12;
	[sflag:s3] =	ssyncset.done $0x0  }
0x4e: {  	s13 =	sadd.s32 $0x2000, s8;
	[sflag:s3] =	ssyncadd.s32 $0xFFFFC000  }
0x4f: {  	[hbm4b:s13+s2] =	stream.linear.scatter [tilespmem:s10], [sflag:$0x5], $0x4000, $0x38;
	[tilespmem:$0x12000] =	vst v63  }
0x50: {  	_ =	swait.ge [sflag:s29], $0x4000  }
0x51: {  	[sflag:s29] =	ssyncset.done $0x0  }
0x52: {  	s13 =	sadd.s32 $0xFFFFFE80, s1;
	[sflag:s29] =	ssyncadd.s32 $0xFFFFC000  }
0x53: {  	[tilespmem:s14], [sflag:$0x3] =	stream.indirect.gather [hbm4b:s5+s7], $0x80, s13, s7, $0xb8;
	[tilespmem:$0x12000] =	vst v63  }
0x54: {  	_ =	swait.ge [sflag:s15], $0x4000  }
0x55: {  	[sflag:s15] =	ssyncset.done $0x0  }
0x56: {  	s13 =	sadd.s32 $0x2800, s8;
	[sflag:s15] =	ssyncadd.s32 $0xFFFFC000  }
0x57: {  	[hbm4b:s13+s2] =	stream.linear.scatter [tilespmem:s11], [sflag:$0x6], $0x4000, $0x38;
	[tilespmem:$0x12000] =	vst v63  }
0x58: {  	_ =	swait.ge [sflag:s30], $0x4000  }
0x59: {  	[sflag:s30] =	ssyncset.done $0x0  }
0x5a: {  	p0 =	seq.s32 s0, $0x1C000;
	s13 =	sadd.s32 $0xFFFFFF00, s1;
	[sflag:s30] =	ssyncadd.s32 $0xFFFFC000  }
0x5b: {  	[tilespmem:s18], [sflag:$0x4] =	stream.indirect.gather [hbm4b:s5+s7], $0x80, s13, s7, $0xb8;
	[tilespmem:$0x12000] =	vst v63  }
.Ltmp2:
0x5c: {  	_ = 	snop;
	(pc) =	sbr.rel @p0 .LBB2_4-.Ltmp2, $4  }
0x5d: {  	_ =	swait.ge [sflag:s19], $0x4000  }
0x5e: {  	[sflag:s19] =	ssyncset.done $0x0  }
0x5f: {  	s13 =	sadd.s32 $0x3000, s8;
	[sflag:s19] =	ssyncadd.s32 $0xFFFFC000  }
0x60: {  	[hbm4b:s13+s2] =	stream.linear.scatter [tilespmem:s14], [sflag:$0x7], $0x4000, $0x38;
	[tilespmem:$0x12000] =	vst v63  }
0x61: {  	_ =	swait.ge [sflag:s21], $0x4000  }
0x62: {  	[sflag:s21] =	ssyncset.done $0x0  }
0x63: {  	s13 =	sadd.s32 $0xFFFFFF80, s1;
	[sflag:s21] =	ssyncadd.s32 $0xFFFFC000  }
0x64: {  	[tilespmem:s10], [sflag:$0x1] =	stream.indirect.gather [hbm4b:s5+s7], $0x80, s13, s7, $0xb8;
	[tilespmem:$0x12000] =	vst v63  }
0x65: {  	_ =	swait.ge [sflag:s25], $0x4000  }
0x66: {  	[sflag:s25] =	ssyncset.done $0x0  }
0x67: {  	s8 =	sadd.s32 $0x3800, s8;
	[sflag:s25] =	ssyncadd.s32 $0xFFFFC000  }
0x68: {  	[hbm4b:s8+s2] =	stream.linear.scatter [tilespmem:s18], [sflag:$0x8], $0x4000, $0x38;
	[tilespmem:$0x12000] =	vst v63  }
.Ltmp3:
0x69: {  	_ =	swait.ge [sflag:s26], $0x4000;
	(pc) =	sbr.rel .LBB2_2-.Ltmp3, $4  }
0x6a: {  	[sflag:s26] =	ssyncset.done $0x0  }
0x6b: {  	[sflag:s26] =	ssyncadd.s32 $0xFFFFC000  }
0x6c: {  	[tilespmem:s11], [sflag:$0x2] =	stream.indirect.gather [hbm4b:s5+s7], $0x80, s1, s7, $0xb8;
	[tilespmem:$0x12000] =	vst v63  }
0x6d: {  	s0 =	sadd.s32 $0x2000, s0;
	s1 =	sadd.s32 $0x200, s1  }
.LBB2_5:
0x6e: {  	_ =	sfence.sel $0x180000  }
0x6f: {  	[bflag:$0x0] =	sbarrier.arrive $0xFFFF  }
0x70: {  	_ =	strace $0x90000047  }
0x71: {  	s0 =	stileid.u32;
	[bflag:$0x2] =	sbarrier.arrive $0xFFFF  }
0x72: {  	p0 =	sne.s32 s0, $0x0;
	s0 =	rddreg [dreg:$0x3]  }
0x73: {  	s0 =	sadd.s32 @!p0 $0x100000, s0  }
0x74: {  	[sflag:s0] =	ssyncadd.tile.s32 @!p0 $0x1;
	_ =	shalt  }
.Lfunc_end2:
_tile_overlayer_lowered:
.L_overlay_start_2:
0x75: {  	(tag) =	ssettag $0x2  }
0x76: {  	s0 =	rddreg [dreg:$0x0];
	s2 =	stileid.u32  }
0x77: {  	s1 =	rddreg [dreg:$0x1];
	p0 =	sne.s32 s2, $0x0  }
0x78: {  	s3 =	rddreg [dreg:$0x2];
	[bflag:$0x3] =	sbarrier.arrive $0xFFFF;
	s2 =	simm.s32 @!p0 $0x1C09  }
0x79: {  	[timem:s3], [sflag:s2] =	dma.local @!p0 [hbm:s0], s1  }
0x7a: {  	s0 =	simm.s32 @!p0 $0x9  }
0x7b: {  	_ =	swait.ge @!p0 [sflag:s0], s1  }
0x7c: {  	s1 =	ssub.s32 @!p0 $0x0, s1;
	[sflag:s0] =	ssyncset.done @!p0 $0x0  }
0x7d: {  	[sflag:s0] =	ssyncadd.s32 @!p0 s1  }
0x7e: {  	[bflag:$0x3] =	sbarrier.arrive $0xFFFF  }
0x7f: {  	_ =	shalt  }

// kernel: sparse-core-data-format-call.cloned.1.call-start
scs
called_computation_lowered:
.L_overlay_start_0:
0x0: {  	s2 =	sld [smem:$0x3FD9]  }
0x1: {  	s3 =	sld [smem:$0x3FFE];
	_ =	sdelay $0x1  }
0x2: {  	s1 =	srdreg.scid  }
0x3: {  	s0 =	sand.u32 $0x1, s1  }
0x4: {  	s18 =	sshll.u32 s0, $0xA;
	s2 =	sadd.s32 s3, s2  }
0x5: {  	s2 =	sadd.s32 s2, s18  }
0x6: {  	[smem:$0x3FC6] =	sst s2  }
0x7: {  	_ = 	snop  }
0x8: {  	s2 =	sld [smem:$0x3FD0];
	(tm) =	ssettm $0x1  }
0x9: {  	s19 =	sld [smem:$0x3FFB];
	_ =	sdelay $0x3  }
0xa: {  	_ =	strace s19  }
0xb: {  	s3 =	sld [smem:$0x3FFC];
	_ =	sdelay $0x3  }
0xc: {  	_ =	strace s3  }
0xd: {  	s3 =	sld [smem:$0x3FFD];
	_ =	sdelay $0x3  }
0xe: {  	_ =	strace s3  }
0xf: {  	_ =	strace $0x8FFFFFFF  }
0x10: {  	s20 =	sld [smem:$0x3FDB];
	_ =	sdelay $0x1  }
0x11: {  	s4 =	simm.s32 $_scs_section_size  }
0x12: {  	s5 =	simm.s32 $_size__tile_overlayer_lowered;
	s6 =	simm.s32 $_tile_overlayer_lowered  }
0x13: {  	s23 =	simm.s32 $0x1BFF;
	s22 =	sshll.u32 s6, $0x1;
	s3 =	sadd.s32 s4, s20  }
0x14: {  	s7 =	simm.s32 $0x0;
	s21 =	sshll.u32 s5, $0x1;
	s5 =	sadd.s32 s22, s3  }
0x15: {  	[timem:s7], [sflag:s23] =	dma.local [hbm:s5], s21  }
0x16: {  	_ =	swait.ge [sflag:s23], s21  }
0x17: {  	s4 =	ssub.s32 $0x0, s21;
	[sflag:s23] =	ssyncset.done $0x0  }
0x18: {  	[sflag:s23] =	ssyncadd.s32 s4;
	_ =	sdelay $0x1  }
0x19: {  	s24 =	simm.s32 $0x1B8B  }
0x1a: {  	_ =	swait.ge [sflag:s24], $0x1  }
0x1b: {  	[sflag:s24] =	ssyncset.done $0x0  }
0x1c: {  	s26 =	simm.s32 $0x1B8E;
	s25 =	sld [smem:$0x3FFE];
	[sflag:s24] =	ssyncadd.s32 $0xFFFFFFFF  }
0x1d: {  	s27 =	simm.s32 $execute0_lowered;
	[smem:$0x3FD2] =	sst s26  }
0x1e: {  	s5 =	sshll.u32 s27, $0x1;
	_ =	strace $0x80000049;
	[dreg:$0x1] =	wrdreg $0xFFFFFFFF  }
0x1f: {  	s28 =	simm.s32 $_size_execute0_lowered;
	s3 =	sadd.s32 s3, s5;
	[dreg:$0x0] =	wrdreg $0x0  }
0x20: {  	s5 =	sshll.u32 s28, $0x1;
	[dreg:$0x2] =	wrdreg s3  }
0x21: {  	[dreg:$0x3] =	wrdreg s5  }
0x22: {  	[dreg:$0x4] =	wrdreg $0xC0  }
0x23: {  	_ =	task [dreg:s7], $0x5FFFF  }
0x24: {  	[dreg:$0x1] =	wrdreg $0xFFFFFFFF  }
0x25: {  	[dreg:$0x0] =	wrdreg $0x60  }
0x26: {  	[dreg:$0x2] =	wrdreg s25  }
0x27: {  	[dreg:$0x3] =	wrdreg s2  }
0x28: {  	[dreg:$0x4] =	wrdreg $0x9  }
0x29: {  	_ =	task.clear_ibuf [dreg:s7], $0x5FFFF;
	_ =	strace $0x90000049  }
0x2a: {  	s29 =	simm.s32 $0x9;
	_ =	strace $0x8000004B  }
0x2b: {  	_ =	swait.ge [sflag:s29], $0x1  }
0x2c: {  	[sflag:s29] =	ssyncadd.s32 $0xFFFFFFFF  }
0x2d: {  	_ =	strace $0x9000004B  }
0x2e: {  	_ =	sfence  }
0x2f: {  	s30 =	sld [smem:$0x0];
	_ =	sdelay $0x2  }
0x30: {  	s31 =	sshll.u32 s1, $0xD;
	s1 =	sshrl.u32 s1, $0x2  }
0x31: {  	s3 =	sand.u32 $0x4000, s31;
	s1 =	sadd.s32 s1, s30  }
0x32: {  	s0 =	sor.u32 s3, s0;
	s1 =	sshll.u32 s1, $0x11  }
0x33: {  	s0 =	sor.u32 s1, s0  }
0x34: {  	s0 =	sadd.s32 $0x8F2B, s0  }
0x35: {  	[sflag:s0] =	ssyncadd.remote.s32 $0x1  }
0x36: {  	_ =	sfence.sel $0xFFFF  }
0x37: {  	[dreg:$0x0] =	wrdreg $0xFFFFFFFF;
	(pc) =	sbr.abs _section_cstart, $3  }
0x38: {  	[dreg:$0x1] =	wrdreg $0xFFFFFFFF  }
0x39: {  	_ =	task.clear_ibuf [dreg:s7], $0x2FFFF;
	_ =	strace $0x9FFFFFFF  }
0x3a: {  	(tm) =	ssettm $0x7FFFFFFF  }
0x3b: {  	_ =	shalt  }
tec
execute0_lowered:
.L_overlay_start_1:
0x0: {  	(tag) =	ssettag $0x1  }
0x1: {  	s3 =	rddreg [dreg:$0x0]  }
0x2: {  	s0 =	srdreg.scid;
	s1 =	rddreg [dreg:$0x1]  }
0x3: {  	s5 =	simm.s32 $0x1;
	s7 =	simm.s32 $0x2;
	s12 =	simm.s32 $0x0  }
0x4: {  	p0 =	por $0x0, $0x0;
	s8 =	simm.s32 $0x20000;
	s0 =	sshll.u32 s0, $0x7  }
0x5: {  	s13 =	simm.s32 $0x0;
	s10 =	stileid.u32;
	s2 =	sand.u32 $0x80, s0  }
.Ltmp0:
0x6: {  	s11 =	simm.s32 $0x0;
	s6 =	ssub.s32 $0x4000, s2;
	(pc) =	sbr.rel .LBB1_1-.Ltmp0, $4  }
0x7: {  	s4 =	sadd.s32 $0x800, s3;
	s0 =	rddreg [dreg:$0x2];
	s31 =	sshrl.u32 s6, $0x7  }
0x8: {  	_ =	strace $0x8000004A;
	s6 =	sshrl.u32 s6, $0x8;
	s3 =	sand.u32 $0x1, s31  }
0x9: {  	[sflag:s5] =	ssyncpa.u1 $0x0;
	s9 =	smov.u32 s2;
	s6 =	sadd.s32 s6, s3  }
0xa: {  	[sflag:s7] =	ssyncpa.u1 $0x0;
	s3 =	stileid.u32;
	s7 =	sadd.s32 $0x1, s6  }
.LBB1_4:
0xb: {  	v5 =	vld [tilespmem:s17+$0xFFFFFFD0];
	[tilespmem:s16+$0x2040 ss:$0x81] =	vst.msk $0xffff, v1  }
0xc: {  	v58 =	vld [tilespmem:s17+$0xFFFFFFE0];
	[tilespmem:s16+$0x2850 ss:$0x81] =	vst.msk $0xffff, v2  }
0xd: {  	s18 =	sshra.s32 s18, $0x2;
	v59 =	vld [tilespmem:s17+$0xFFFFFFF0];
	[tilespmem:s16+$0x3060 ss:$0x81] =	vst.msk $0xffff, v3  }
0xe: {  	v60 =	vld [tilespmem:s17+$0x0];
	[tilespmem:s16+$0x0 ss:$0x81] =	vst.msk $0xffff, v0;
	s15 =	sadd.s32 s18, s15  }
0xf: {  	v61 =	vld [tilespmem:s17+$0x10];
	[tilespmem:s15+$0x3870 ss:$0x81] =	vst.msk $0xffff, v4  }
0x10: {  	v62 =	vld [tilespmem:s17+$0x20];
	[tilespmem:s15+$0x810 ss:$0x81] =	vst.msk $0xffff, v5  }
0x11: {  	v63 =	vld [tilespmem:s17+$0xFFFFFFC0];
	[tilespmem:s15+$0x1020 ss:$0x81] =	vst.msk $0xffff, v58  }
0x12: {  	s28 =	sshll.u32 s12, $0x3;
	s29 =	sand.u32 $0x78, s12;
	[tilespmem:s15+$0x1830 ss:$0x81] =	vst.msk $0xffff, v59  }
0x13: {  	s13 =	sshll.u32 s13, $0x12;
	s30 =	sand.u32 $0x3F800, s12;
	s16 =	sand.u32 $0x3C00, s28;
	[tilespmem:s15+$0x2040 ss:$0x81] =	vst.msk $0xffff, v60  }
0x14: {  	s31 =	sand.u32 $0x7, s12;
	s13 =	sadd.s32 s1, s13;
	s16 =	sor.u32 s29, s16;
	[tilespmem:s15+$0x2850 ss:$0x81] =	vst.msk $0xffff, v61  }
0x15: {  	s12 =	sshll.u32 s31, $0x12;
	s13 =	sadd.s32 s30, s13;
	s16 =	sshrl.u32 s16, $0x3;
	[tilespmem:s15+$0x3060 ss:$0x81] =	vst.msk $0xffff, v62  }
0x16: {  	s12 =	sor.u32 $0x400, s12;
	s13 =	sadd.s32 s16, s13;
	[tilespmem:s15+$0x0 ss:$0x81] =	vst.msk $0xffff, v63  }
0x17: {  	[hbm4b:s13+s12] =	stream.strided.scatter [tilespmem:s14], [sflag:$0x2], $0x4000, s8, s12, $0x20;
	[tilespmem:$0x10100] =	vst v63  }
.LBB1_5:
0x18: {  	s14 =	sadd.s32 $0x100, s9  }
0x19: {  	s12 =	sadd.s32 $0x10, s10;
	s16 =	smov.u32 s10;
	p2 =	sgt.s32 s14, $0x3FFF  }
0x1a: {  	s16 =	smov.u32 @p2 s12  }
0x1b: {  	s14 =	smov.u32 @p2 s2;
	p2 =	sgt.s32 s16, $0xF  }
0x1c: {  	s16 =	smov.u32 @p2 s3;
	p2 =	sne.s32 s11, s7  }
.Ltmp1:
0x1d: {  	p1 =	slt.u32 s11, $0x2;
	(pc) =	sbr.rel @!p2 .LBB1_6-.Ltmp1, $4  }
0x1e: {  	s15 =	simm.s32 @!p1 $0x2  }
0x1f: {  	s13 =	smov.u32 s10;
	p0 =	por !p0, !p0;
	_ =	swait.ge @!p1 [sflag:s15], $0x4000  }
0x20: {  	s12 =	smov.u32 s9;
	[sflag:s15] =	ssyncset.done @!p1 $0x0;
	s9 =	smov.u32 s14  }
0x21: {  	s11 =	sadd.s32 $0x1, s11;
	[sflag:s15] =	ssyncadd.s32 @!p1 $0xFFFFC000;
	s10 =	smov.u32 s16  }
.LBB1_1:
0x22: {  	p1 =	sge.u32 s11, s6;
	s31 =	sadd.s32 $0xFFFFFFFF, s11  }
0x23: {  	s14 =	sxor.u32 @!p1 $0xFFFFFFFF, s11;
	s15 =	sshll.u32 @!p1 s10, $0x12;
	s16 =	sshll.u32 @!p1 s9, $0x4  }
0x24: {  	s14 =	sshll.u32 @!p1 s14, $0xE;
	s16 =	sand.u32 @!p1 $0x3FFF0, s16;
	s15 =	sadd.s32 @!p1 s4, s15  }
0x25: {  	s14 =	sand.u32 @!p1 $0x4000, s14;
	s15 =	sadd.s32 @!p1 s16, s15;
	s16 =	simm.s32 @!p1 $0x0  }
0x26: {  	[tilespmem:s14], [sflag:$0x1] =	stream.linear.gather @!p1 [hbm4b:s15+s16], $0x4000, $0x38;
	[tilespmem:$0x10100] =	vst v63  }
0x27: {  	p1 =	sge.u32 s31, s6  }
.Ltmp2:
0x28: {  	_ = 	snop;
	(pc) =	sbr.rel @p1 .LBB1_5-.Ltmp2, $1  }
0x29: {  	_ =	sdelay $0x3  }
0x2a: {  	s14 =	simm.s32 $0x1  }
0x2b: {  	_ =	swait.ge [sflag:s5], $0x4000;
	s14 =	simm.s32 @!p0 $0x0  }
0x2c: {  	[sflag:s5] =	ssyncset.done $0x0;
	s15 =	sshll.u32 s14, $0xE  }
0x2d: {  	[sflag:s5] =	ssyncadd.s32 $0xFFFFC000;
	s17 =	sor.u32 $0x40, s15  }
0x2e: {  	s14 =	smul.u32 $0x10200, s14;
	v0 =	vld [tilespmem:s17+$0x30]  }
0x2f: {  	v3 =	vld [tilespmem:s17+$0xFFFFFFD0]  }
0x30: {  	s14 =	sshrl.u32 s14, $0x2;
	v4 =	vld [tilespmem:s17+$0xFFFFFFE0]  }
0x31: {  	v5 =	vld [tilespmem:s17+$0xFFFFFFF0];
	s15 =	sor.u32 $0x8000, s14  }
0x32: {  	s31 =	sand.u32 $0x1, s11;
	v1 =	vld [tilespmem:s17+$0x0];
	s16 =	sadd.s32 $0x0, s15  }
0x33: {  	v2 =	vld [tilespmem:s17+$0x10];
	s14 =	smul.u32 $0x10200, s31;
	[tilespmem:s16+$0x3870 ss:$0x81] =	vst.msk $0xffff, v0  }
0x34: {  	[tilespmem:s16+$0x810 ss:$0x81] =	vst.msk $0xffff, v3;
	v3 =	vld [tilespmem:s17+$0x20]  }
0x35: {  	s14 =	sshrl.u32 s14, $0x2;
	v0 =	vld [tilespmem:s17+$0xFFFFFFC0];
	[tilespmem:s16+$0x1020 ss:$0x81] =	vst.msk $0xffff, v4;
	s17 =	sadd.s32 $0x80, s17  }
0x36: {  	s18 =	simm.s32 $0x4;
	s19 =	simm.s32 $0x8;
	s14 =	sor.u32 $0x8000, s14;
	[tilespmem:s16+$0x1830 ss:$0x81] =	vst.msk $0xffff, v5;
	v4 =	vld [tilespmem:s17+$0x30]  }
.LBB1_3:
0x37: {  	p1 =	sne.s32 s19, $0x1FC;
	v5 =	vld [tilespmem:s17+$0xFFFFFFD0];
	[tilespmem:s16+$0x2040 ss:$0x81] =	vst.msk $0xffff, v1  }
0x38: {  	v6 =	vld [tilespmem:s17+$0xFFFFFFE0];
	[tilespmem:s16+$0x2850 ss:$0x81] =	vst.msk $0xffff, v2  }
0x39: {  	s20 =	sshra.s32 s18, $0x2;
	s18 =	smov.u32 s19;
	v7 =	vld [tilespmem:s17+$0xFFFFFFF0];
	[tilespmem:s16+$0x3060 ss:$0x81] =	vst.msk $0xffff, v3  }
.Ltmp3:
0x3a: {  	v1 =	vld [tilespmem:s17+$0x0];
	[tilespmem:s16+$0x0 ss:$0x81] =	vst.msk $0xffff, v0;
	s16 =	sadd.s32 s20, s15;
	(pc) =	sbr.rel @p1 .LBB1_3-.Ltmp3, $4  }
0x3b: {  	v2 =	vld [tilespmem:s17+$0x10];
	[tilespmem:s16+$0x3870 ss:$0x81] =	vst.msk $0xffff, v4  }
0x3c: {  	[tilespmem:s16+$0x810 ss:$0x81] =	vst.msk $0xffff, v5;
	v3 =	vld [tilespmem:s17+$0x20]  }
0x3d: {  	v0 =	vld [tilespmem:s17+$0xFFFFFFC0];
	[tilespmem:s16+$0x1020 ss:$0x81] =	vst.msk $0xffff, v6;
	s17 =	sadd.s32 $0x80, s17  }
0x3e: {  	s19 =	sadd.s32 $0x4, s19;
	v4 =	vld [tilespmem:s17+$0x30];
	[tilespmem:s16+$0x1830 ss:$0x81] =	vst.msk $0xffff, v7  }
.Ltmp4:
0x3f: {  	_ = 	snop;
	(pc) =	sbr.rel .LBB1_4-.Ltmp4, $1  }
0x40: {  	_ =	sdelay $0x3  }
.LBB1_6:
0x41: {  	_ =	sfence.sel $0x180000  }
0x42: {  	s1 =	simm.s32 $0x1;
	[bflag:$0x0] =	sbarrier.arrive $0xFFFF  }
0x43: {  	s31 =	simm.s32 $0x2;
	[sflag:s1] =	ssyncpa.u1 $0x1  }
0x44: {  	[sflag:s31] =	ssyncpa.u1 $0x1  }
0x45: {  	p0 =	sne.s32 s3, $0x0;
	_ =	strace $0x9000004A  }
0x46: {  	s0 =	sadd.s32 @!p0 $0x100000, s0;
	[bflag:$0x2] =	sbarrier.arrive $0xFFFF  }
0x47: {  	[sflag:s0] =	ssyncadd.tile.s32 @!p0 $0x1;
	_ =	shalt  }
.Lfunc_end1:
_tile_overlayer_lowered:
.L_overlay_start_2:
0x48: {  	(tag) =	ssettag $0x2  }
0x49: {  	s0 =	rddreg [dreg:$0x0];
	s2 =	stileid.u32  }
0x4a: {  	s1 =	rddreg [dreg:$0x1];
	p0 =	sne.s32 s2, $0x0  }
0x4b: {  	s3 =	rddreg [dreg:$0x2];
	[bflag:$0x3] =	sbarrier.arrive $0xFFFF;
	s2 =	simm.s32 @!p0 $0x1C01  }
0x4c: {  	[timem:s3], [sflag:s2] =	dma.local @!p0 [hbm:s0], s1  }
0x4d: {  	s0 =	simm.s32 @!p0 $0x1  }
0x4e: {  	_ =	swait.ge @!p0 [sflag:s0], s1  }
0x4f: {  	s1 =	ssub.s32 @!p0 $0x0, s1;
	[sflag:s0] =	ssyncset.done @!p0 $0x0  }
0x50: {  	[sflag:s0] =	ssyncadd.s32 @!p0 s1  }
0x51: {  	[bflag:$0x3] =	sbarrier.arrive $0xFFFF  }
0x52: {  	_ =	shalt  }

</sc_bundles>
